<compile_context>
chip_gen: v7x
topology: tpu7x:2x2x1
jax: 0.10.2.dev20260603
libtpu: 0.0.44.dev20260713+nightly
codegen_flags: <defaults>
</compile_context>

<pallas_src>
import functools
import math

import jax
import jax.numpy as jnp
from jax import lax
from jax.experimental import pallas as pl
from jax.experimental.pallas import tpu as pltpu
from jax.experimental.pallas import tpu_sc as plsc

D = 16
SCALE = math.sqrt(D)
NC, NS = 2, 16
NW = NC * NS
STREAM = 128
TASK = 1024
TASK_STREAMS = TASK // STREAM


def _tc_transpose_body(bc, wt_ref, out_ref):
    t = wt_ref[...].T
    t8 = t.reshape(bc // 8, 8, 16)
    out_ref[...] = jnp.concatenate([t8[:, k, :] for k in range(8)], axis=1)


def _tc_transpose(Wt, v):
    bc = 8192
    return pl.pallas_call(
        functools.partial(_tc_transpose_body, bc),
        grid=(pl.cdiv(v, bc),),
        in_specs=[pl.BlockSpec((D, bc), lambda i: (0, i))],
        out_specs=pl.BlockSpec((bc // 8, 128), lambda i: (i, 0)),
        out_shape=jax.ShapeDtypeStruct((v * D // 128, 128), jnp.float32),
    )(Wt)


def _emb_body(n_tasks_per_w, n_batch, W_hbm, idx_hbm, out_hbm,
              idx_v, gath_v, tbuf_v, gsem, wsem):
    wid = lax.axis_index("s") * NC + lax.axis_index("c")
    idx_rows = n_tasks_per_w * TASK_STREAMS
    qs_per_h = n_batch // TASK

    pltpu.sync_copy(idx_hbm.at[pl.ds(wid * idx_rows, idx_rows)], idx_v)

    lane = lax.broadcasted_iota(jnp.int32, (D,), 0)

    def fire(g, buf):
        for j in range(TASK_STREAMS):
            pltpu.async_copy(
                W_hbm.at[idx_v.at[g * TASK_STREAMS + j]],
                gath_v.at[buf, pl.ds(j * STREAM, STREAM)],
                gsem,
            )

    fire(0, 0)

    def step(g, _):
        cb = g % 2
        t = wid * n_tasks_per_w + g
        h = t // qs_per_h
        q = t % qs_per_h

        pltpu.make_async_copy(
            W_hbm.at[pl.ds(0, TASK)], gath_v.at[cb], gsem
        ).wait()

        @pl.when(g + 1 < n_tasks_per_w)
        def _():
            for j in range(TASK_STREAMS):
                pltpu.async_copy(
                    W_hbm.at[idx_v.at[(g + 1) * TASK_STREAMS + j]],
                    gath_v.at[(g + 1) % 2, pl.ds(j * STREAM, STREAM)],
                    gsem,
                )

        @pl.when(g >= 2)
        def _():
            pltpu.make_async_copy(
                W_hbm.at[pl.ds(0, D)], tbuf_v.at[cb], wsem
            ).wait()

        buf_ix = jnp.full((D,), cb, jnp.int32)

        @functools.partial(
            plsc.parallel_loop, 0, TASK, unroll=8,
            carry=jnp.zeros((D,), jnp.int32),
        )
        def _(b, bvec):
            row = gath_v[cb, b] * SCALE
            plsc.store_scatter(tbuf_v, [buf_ix, lane, bvec], row)
            return bvec + 1

        pltpu.async_copy(
            tbuf_v.at[cb],
            out_hbm.at[pl.ds(h * D, D), pl.ds(q * TASK, TASK)],
            wsem,
        )
        return 0

    lax.fori_loop(0, n_tasks_per_w, step, 0)

    pltpu.make_async_copy(W_hbm.at[pl.ds(0, D)], tbuf_v.at[0], wsem).wait()
    pltpu.make_async_copy(W_hbm.at[pl.ds(0, D)], tbuf_v.at[1], wsem).wait()


@functools.partial(jax.jit, static_argnames=("n_hist", "n_batch"))
def _emb_lookup(x_t2d, W, n_hist, n_batch):
    n_rows = n_hist * n_batch
    n_tasks_per_w = n_rows // (NW * TASK)
    idx_rows = n_tasks_per_w * TASK_STREAMS
    mesh = plsc.VectorSubcoreMesh(core_axis_name="c", subcore_axis_name="s")
    run = pl.kernel(
        functools.partial(_emb_body, n_tasks_per_w, n_batch),
        out_type=jax.ShapeDtypeStruct((n_hist * D, n_batch), jnp.float32),
        mesh=mesh,
        scratch_types=[
            pltpu.VMEM((idx_rows, STREAM), jnp.int32),
            pltpu.VMEM((2, TASK, D), jnp.float32),
            pltpu.VMEM((2, D, TASK), jnp.float32),
            pltpu.SemaphoreType.DMA,
            pltpu.SemaphoreType.DMA,
        ],
        compiler_params=pltpu.CompilerParams(
            use_tc_tiling_on_sc=False, needs_layout_passes=False
        ),
    )
    return run(W, x_t2d)


def kernel(x, W):
    b, h = x.shape
    v = W.shape[0]
    x_t2d = x.T.reshape((h * b) // STREAM, STREAM)
    W_lin = _tc_transpose(W.T, v).reshape(v, D)
    out = _emb_lookup(x_t2d, W_lin, h, b)
    return out.reshape(h, D, b).transpose(2, 0, 1)

# --- scband reference (transcript-rebuilt; emitter-appended) ---
"""Pipeline reference for scband-embeddings-48524540510982 (READ-ONLY COPY).

The authoritative reference and input builder live on the scoring server;
editing this copy changes nothing except your own understanding.
"""

import jax, jax.numpy as jnp
import numpy as np
import math

VOCAB = 1000000
D_MODEL = 16
BATCH = 4096
HIST = 200

def setup_inputs(seed: int = 0) -> dict:
    key = jax.random.key(seed)
    k1, k2 = jax.random.split(key)
    x = jax.random.randint(k1, (BATCH, HIST), 0, VOCAB, dtype=jnp.int32)
    W = jax.random.normal(k2, (VOCAB, D_MODEL), dtype=jnp.float32)
    return {"x": x, "W": W}

def reference(x, W):
    # Embedding lookup followed by sqrt(d_model) scaling (Transformer-style).
    emb = jnp.take(W, x, axis=0)
    return emb * math.sqrt(D_MODEL)

if __name__ == "__main__":
    import jax
    _d = setup_inputs()
    print(jax.jit(kernel)(*tuple(_d.values())))

</pallas_src>

<mosaic_0001>
#map = affine_map<(d0, d1) -> (0, 0)>
module attributes {stable_mosaic.version = 14 : i64} {
  func.func @_emb_body(%arg0: i32, %arg1: i32, %arg2: memref<1000000x16xf32, #tpu.memory_space<hbm>>, %arg3: memref<6400x128xi32, #tpu.memory_space<hbm>>, %arg4: memref<3200x4096xf32, #tpu.memory_space<hbm>>, %arg5: memref<200x128xi32, #tpu.memory_space<vmem>>, %arg6: memref<2x1024x16xf32, #tpu.memory_space<vmem>>, %arg7: memref<2x16x1024xf32, #tpu.memory_space<vmem>>, %arg8: memref<!tpu.dma_semaphore, #tpu.memory_space<semaphore_mem>>, %arg9: memref<!tpu.dma_semaphore, #tpu.memory_space<semaphore_mem>>) attributes {dimension_semantics = [#tpu.dimension_semantics<core_parallel>, #tpu.dimension_semantics<subcore_parallel>], iteration_bounds = array<i64: 2, 16>, scalar_prefetch = 0 : i64, scratch_operands = 5 : i64, tpu.core_type = #tpu.core_type<sc_vector_subcore>, window_params = [{transform_indices = #map}, {transform_indices = #map}, {transform_indices = #map}]} {
    %mul3A = arith.constant 2 : i32
    %mul3A_0 = arith.muli %arg1, %mul3A : i32
    %add3A = arith.addi %mul3A_0, %arg0 : i32
    %mul3A_1 = arith.constant 200 : i32
    %mul3A_2 = arith.muli %add3A, %mul3A_1 : i32
    "tpu.region"() ({
      %run_scoped3A = tpu.sem_alloc : memref<!tpu.dma_semaphore, #tpu.memory_space<semaphore_mem>>
      %dma_start3A_133 = arith.constant 0 : i32
      %dma_start3A_134 = tpu.memref_slice %arg3[%mul3A_2, %dma_start3A_133] : memref<6400x128xi32, #tpu.memory_space<hbm>> -> memref<200x128xi32, #tpu.memory_space<hbm>>
      %dma_start3A_135 = arith.constant 0 : i32
      %dma_start3A_136 = tpu.memref_slice %arg3[%mul3A_2, %dma_start3A_135] : memref<6400x128xi32, #tpu.memory_space<hbm>> -> memref<200x128xi32, #tpu.memory_space<hbm>>
      tpu.enqueue_dma source(%dma_start3A_136 : memref<200x128xi32, #tpu.memory_space<hbm>>) target(%arg5 : memref<200x128xi32, #tpu.memory_space<vmem>>) target_semaphore(%run_scoped3A : memref<!tpu.dma_semaphore, #tpu.memory_space<semaphore_mem>>)
      %dma_wait3A_137 = arith.constant 0 : i32
      %dma_wait3A_138 = tpu.memref_slice %arg3[%mul3A_2, %dma_wait3A_137] : memref<6400x128xi32, #tpu.memory_space<hbm>> -> memref<200x128xi32, #tpu.memory_space<hbm>>
      %dma_wait3A_139 = arith.constant 0 : i32
      %dma_wait3A_140 = tpu.memref_slice %arg3[%mul3A_2, %dma_wait3A_139] : memref<6400x128xi32, #tpu.memory_space<hbm>> -> memref<200x128xi32, #tpu.memory_space<hbm>>
      tpu.wait_dma2 semaphore(%run_scoped3A : memref<!tpu.dma_semaphore, #tpu.memory_space<semaphore_mem>>) src(%dma_wait3A_140 : memref<200x128xi32, #tpu.memory_space<hbm>>) dst(%arg5 : memref<200x128xi32, #tpu.memory_space<vmem>>)
      tpu.yield
    }) : () -> ()
    %iota3A = tpu.iota {dimensions = array<i32: 0>} : vector<16xi32>
    %dma_start3A = arith.constant 0 : i32
    %dma_start3A_3 = arith.constant 0 : i32
    %dma_start3A_4 = arith.constant 0 : i32
    %dma_start3A_5 = arith.constant 0 : i32
    %dma_start3A_6 = tpu.memref_slice %arg6[%dma_start3A_3, %dma_start3A_4, %dma_start3A_5] : memref<2x1024x16xf32, #tpu.memory_space<vmem>> -> memref<1x128x16xf32, #tpu.memory_space<vmem>>
    %dma_start3A_7 = tpu.memref_squeeze %dma_start3A_6 : memref<1x128x16xf32, #tpu.memory_space<vmem>> -> memref<128x16xf32, #tpu.memory_space<vmem>>
    %dma_start3A_8 = arith.constant 0 : i32
    %dma_start3A_9 = tpu.memref_slice %arg5[%dma_start3A, %dma_start3A_8] : memref<200x128xi32, #tpu.memory_space<vmem>> -> memref<1x128xi32, #tpu.memory_space<vmem>>
    %dma_start3A_10 = tpu.memref_squeeze %dma_start3A_9 : memref<1x128xi32, #tpu.memory_space<vmem>> -> memref<128xi32, #tpu.memory_space<vmem>>
    %dma_start3A_11 = arith.constant 0 : i32
    %dma_start3A_12 = arith.constant 0 : i32
    %dma_start3A_13 = tpu.memref_slice %arg2[%dma_start3A_11, %dma_start3A_12] : memref<1000000x16xf32, #tpu.memory_space<hbm>> -> memref<1000000x16xf32, #tpu.memory_space<hbm>>
    tpu.enqueue_indirect_dma source(%dma_start3A_13 : memref<1000000x16xf32, #tpu.memory_space<hbm>>) target(%dma_start3A_7 : memref<128x16xf32, #tpu.memory_space<vmem>>) offsets(%dma_start3A_10 : memref<128xi32, #tpu.memory_space<vmem>>) semaphore(%arg8 : memref<!tpu.dma_semaphore, #tpu.memory_space<semaphore_mem>>)
    %dma_start3A_14 = arith.constant 1 : i32
    %dma_start3A_15 = arith.constant 0 : i32
    %dma_start3A_16 = arith.constant 128 : i32
    %dma_start3A_17 = arith.constant 0 : i32
    %dma_start3A_18 = tpu.memref_slice %arg6[%dma_start3A_15, %dma_start3A_16, %dma_start3A_17] : memref<2x1024x16xf32, #tpu.memory_space<vmem>> -> memref<1x128x16xf32, #tpu.memory_space<vmem>>
    %dma_start3A_19 = tpu.memref_squeeze %dma_start3A_18 : memref<1x128x16xf32, #tpu.memory_space<vmem>> -> memref<128x16xf32, #tpu.memory_space<vmem>>
    %dma_start3A_20 = arith.constant 0 : i32
    %dma_start3A_21 = tpu.memref_slice %arg5[%dma_start3A_14, %dma_start3A_20] : memref<200x128xi32, #tpu.memory_space<vmem>> -> memref<1x128xi32, #tpu.memory_space<vmem>>
    %dma_start3A_22 = tpu.memref_squeeze %dma_start3A_21 : memref<1x128xi32, #tpu.memory_space<vmem>> -> memref<128xi32, #tpu.memory_space<vmem>>
    %dma_start3A_23 = arith.constant 0 : i32
    %dma_start3A_24 = arith.constant 0 : i32
    %dma_start3A_25 = tpu.memref_slice %arg2[%dma_start3A_23, %dma_start3A_24] : memref<1000000x16xf32, #tpu.memory_space<hbm>> -> memref<1000000x16xf32, #tpu.memory_space<hbm>>
    tpu.enqueue_indirect_dma source(%dma_start3A_25 : memref<1000000x16xf32, #tpu.memory_space<hbm>>) target(%dma_start3A_19 : memref<128x16xf32, #tpu.memory_space<vmem>>) offsets(%dma_start3A_22 : memref<128xi32, #tpu.memory_space<vmem>>) semaphore(%arg8 : memref<!tpu.dma_semaphore, #tpu.memory_space<semaphore_mem>>)
    %dma_start3A_26 = arith.constant 2 : i32
    %dma_start3A_27 = arith.constant 0 : i32
    %dma_start3A_28 = arith.constant 256 : i32
    %dma_start3A_29 = arith.constant 0 : i32
    %dma_start3A_30 = tpu.memref_slice %arg6[%dma_start3A_27, %dma_start3A_28, %dma_start3A_29] : memref<2x1024x16xf32, #tpu.memory_space<vmem>> -> memref<1x128x16xf32, #tpu.memory_space<vmem>>
    %dma_start3A_31 = tpu.memref_squeeze %dma_start3A_30 : memref<1x128x16xf32, #tpu.memory_space<vmem>> -> memref<128x16xf32, #tpu.memory_space<vmem>>
    %dma_start3A_32 = arith.constant 0 : i32
    %dma_start3A_33 = tpu.memref_slice %arg5[%dma_start3A_26, %dma_start3A_32] : memref<200x128xi32, #tpu.memory_space<vmem>> -> memref<1x128xi32, #tpu.memory_space<vmem>>
    %dma_start3A_34 = tpu.memref_squeeze %dma_start3A_33 : memref<1x128xi32, #tpu.memory_space<vmem>> -> memref<128xi32, #tpu.memory_space<vmem>>
    %dma_start3A_35 = arith.constant 0 : i32
    %dma_start3A_36 = arith.constant 0 : i32
    %dma_start3A_37 = tpu.memref_slice %arg2[%dma_start3A_35, %dma_start3A_36] : memref<1000000x16xf32, #tpu.memory_space<hbm>> -> memref<1000000x16xf32, #tpu.memory_space<hbm>>
    tpu.enqueue_indirect_dma source(%dma_start3A_37 : memref<1000000x16xf32, #tpu.memory_space<hbm>>) target(%dma_start3A_31 : memref<128x16xf32, #tpu.memory_space<vmem>>) offsets(%dma_start3A_34 : memref<128xi32, #tpu.memory_space<vmem>>) semaphore(%arg8 : memref<!tpu.dma_semaphore, #tpu.memory_space<semaphore_mem>>)
    %dma_start3A_38 = arith.constant 3 : i32
    %dma_start3A_39 = arith.constant 0 : i32
    %dma_start3A_40 = arith.constant 384 : i32
    %dma_start3A_41 = arith.constant 0 : i32
    %dma_start3A_42 = tpu.memref_slice %arg6[%dma_start3A_39, %dma_start3A_40, %dma_start3A_41] : memref<2x1024x16xf32, #tpu.memory_space<vmem>> -> memref<1x128x16xf32, #tpu.memory_space<vmem>>
    %dma_start3A_43 = tpu.memref_squeeze %dma_start3A_42 : memref<1x128x16xf32, #tpu.memory_space<vmem>> -> memref<128x16xf32, #tpu.memory_space<vmem>>
    %dma_start3A_44 = arith.constant 0 : i32
    %dma_start3A_45 = tpu.memref_slice %arg5[%dma_start3A_38, %dma_start3A_44] : memref<200x128xi32, #tpu.memory_space<vmem>> -> memref<1x128xi32, #tpu.memory_space<vmem>>
    %dma_start3A_46 = tpu.memref_squeeze %dma_start3A_45 : memref<1x128xi32, #tpu.memory_space<vmem>> -> memref<128xi32, #tpu.memory_space<vmem>>
    %dma_start3A_47 = arith.constant 0 : i32
    %dma_start3A_48 = arith.constant 0 : i32
    %dma_start3A_49 = tpu.memref_slice %arg2[%dma_start3A_47, %dma_start3A_48] : memref<1000000x16xf32, #tpu.memory_space<hbm>> -> memref<1000000x16xf32, #tpu.memory_space<hbm>>
    tpu.enqueue_indirect_dma source(%dma_start3A_49 : memref<1000000x16xf32, #tpu.memory_space<hbm>>) target(%dma_start3A_43 : memref<128x16xf32, #tpu.memory_space<vmem>>) offsets(%dma_start3A_46 : memref<128xi32, #tpu.memory_space<vmem>>) semaphore(%arg8 : memref<!tpu.dma_semaphore, #tpu.memory_space<semaphore_mem>>)
    %dma_start3A_50 = arith.constant 4 : i32
    %dma_start3A_51 = arith.constant 0 : i32
    %dma_start3A_52 = arith.constant 512 : i32
    %dma_start3A_53 = arith.constant 0 : i32
    %dma_start3A_54 = tpu.memref_slice %arg6[%dma_start3A_51, %dma_start3A_52, %dma_start3A_53] : memref<2x1024x16xf32, #tpu.memory_space<vmem>> -> memref<1x128x16xf32, #tpu.memory_space<vmem>>
    %dma_start3A_55 = tpu.memref_squeeze %dma_start3A_54 : memref<1x128x16xf32, #tpu.memory_space<vmem>> -> memref<128x16xf32, #tpu.memory_space<vmem>>
    %dma_start3A_56 = arith.constant 0 : i32
    %dma_start3A_57 = tpu.memref_slice %arg5[%dma_start3A_50, %dma_start3A_56] : memref<200x128xi32, #tpu.memory_space<vmem>> -> memref<1x128xi32, #tpu.memory_space<vmem>>
    %dma_start3A_58 = tpu.memref_squeeze %dma_start3A_57 : memref<1x128xi32, #tpu.memory_space<vmem>> -> memref<128xi32, #tpu.memory_space<vmem>>
    %dma_start3A_59 = arith.constant 0 : i32
    %dma_start3A_60 = arith.constant 0 : i32
    %dma_start3A_61 = tpu.memref_slice %arg2[%dma_start3A_59, %dma_start3A_60] : memref<1000000x16xf32, #tpu.memory_space<hbm>> -> memref<1000000x16xf32, #tpu.memory_space<hbm>>
    tpu.enqueue_indirect_dma source(%dma_start3A_61 : memref<1000000x16xf32, #tpu.memory_space<hbm>>) target(%dma_start3A_55 : memref<128x16xf32, #tpu.memory_space<vmem>>) offsets(%dma_start3A_58 : memref<128xi32, #tpu.memory_space<vmem>>) semaphore(%arg8 : memref<!tpu.dma_semaphore, #tpu.memory_space<semaphore_mem>>)
    %dma_start3A_62 = arith.constant 5 : i32
    %dma_start3A_63 = arith.constant 0 : i32
    %dma_start3A_64 = arith.constant 640 : i32
    %dma_start3A_65 = arith.constant 0 : i32
    %dma_start3A_66 = tpu.memref_slice %arg6[%dma_start3A_63, %dma_start3A_64, %dma_start3A_65] : memref<2x1024x16xf32, #tpu.memory_space<vmem>> -> memref<1x128x16xf32, #tpu.memory_space<vmem>>
    %dma_start3A_67 = tpu.memref_squeeze %dma_start3A_66 : memref<1x128x16xf32, #tpu.memory_space<vmem>> -> memref<128x16xf32, #tpu.memory_space<vmem>>
    %dma_start3A_68 = arith.constant 0 : i32
    %dma_start3A_69 = tpu.memref_slice %arg5[%dma_start3A_62, %dma_start3A_68] : memref<200x128xi32, #tpu.memory_space<vmem>> -> memref<1x128xi32, #tpu.memory_space<vmem>>
    %dma_start3A_70 = tpu.memref_squeeze %dma_start3A_69 : memref<1x128xi32, #tpu.memory_space<vmem>> -> memref<128xi32, #tpu.memory_space<vmem>>
    %dma_start3A_71 = arith.constant 0 : i32
    %dma_start3A_72 = arith.constant 0 : i32
    %dma_start3A_73 = tpu.memref_slice %arg2[%dma_start3A_71, %dma_start3A_72] : memref<1000000x16xf32, #tpu.memory_space<hbm>> -> memref<1000000x16xf32, #tpu.memory_space<hbm>>
    tpu.enqueue_indirect_dma source(%dma_start3A_73 : memref<1000000x16xf32, #tpu.memory_space<hbm>>) target(%dma_start3A_67 : memref<128x16xf32, #tpu.memory_space<vmem>>) offsets(%dma_start3A_70 : memref<128xi32, #tpu.memory_space<vmem>>) semaphore(%arg8 : memref<!tpu.dma_semaphore, #tpu.memory_space<semaphore_mem>>)
    %dma_start3A_74 = arith.constant 6 : i32
    %dma_start3A_75 = arith.constant 0 : i32
    %dma_start3A_76 = arith.constant 768 : i32
    %dma_start3A_77 = arith.constant 0 : i32
    %dma_start3A_78 = tpu.memref_slice %arg6[%dma_start3A_75, %dma_start3A_76, %dma_start3A_77] : memref<2x1024x16xf32, #tpu.memory_space<vmem>> -> memref<1x128x16xf32, #tpu.memory_space<vmem>>
    %dma_start3A_79 = tpu.memref_squeeze %dma_start3A_78 : memref<1x128x16xf32, #tpu.memory_space<vmem>> -> memref<128x16xf32, #tpu.memory_space<vmem>>
    %dma_start3A_80 = arith.constant 0 : i32
    %dma_start3A_81 = tpu.memref_slice %arg5[%dma_start3A_74, %dma_start3A_80] : memref<200x128xi32, #tpu.memory_space<vmem>> -> memref<1x128xi32, #tpu.memory_space<vmem>>
    %dma_start3A_82 = tpu.memref_squeeze %dma_start3A_81 : memref<1x128xi32, #tpu.memory_space<vmem>> -> memref<128xi32, #tpu.memory_space<vmem>>
    %dma_start3A_83 = arith.constant 0 : i32
    %dma_start3A_84 = arith.constant 0 : i32
    %dma_start3A_85 = tpu.memref_slice %arg2[%dma_start3A_83, %dma_start3A_84] : memref<1000000x16xf32, #tpu.memory_space<hbm>> -> memref<1000000x16xf32, #tpu.memory_space<hbm>>
    tpu.enqueue_indirect_dma source(%dma_start3A_85 : memref<1000000x16xf32, #tpu.memory_space<hbm>>) target(%dma_start3A_79 : memref<128x16xf32, #tpu.memory_space<vmem>>) offsets(%dma_start3A_82 : memref<128xi32, #tpu.memory_space<vmem>>) semaphore(%arg8 : memref<!tpu.dma_semaphore, #tpu.memory_space<semaphore_mem>>)
    %dma_start3A_86 = arith.constant 7 : i32
    %dma_start3A_87 = arith.constant 0 : i32
    %dma_start3A_88 = arith.constant 896 : i32
    %dma_start3A_89 = arith.constant 0 : i32
    %dma_start3A_90 = tpu.memref_slice %arg6[%dma_start3A_87, %dma_start3A_88, %dma_start3A_89] : memref<2x1024x16xf32, #tpu.memory_space<vmem>> -> memref<1x128x16xf32, #tpu.memory_space<vmem>>
    %dma_start3A_91 = tpu.memref_squeeze %dma_start3A_90 : memref<1x128x16xf32, #tpu.memory_space<vmem>> -> memref<128x16xf32, #tpu.memory_space<vmem>>
    %dma_start3A_92 = arith.constant 0 : i32
    %dma_start3A_93 = tpu.memref_slice %arg5[%dma_start3A_86, %dma_start3A_92] : memref<200x128xi32, #tpu.memory_space<vmem>> -> memref<1x128xi32, #tpu.memory_space<vmem>>
    %dma_start3A_94 = tpu.memref_squeeze %dma_start3A_93 : memref<1x128xi32, #tpu.memory_space<vmem>> -> memref<128xi32, #tpu.memory_space<vmem>>
    %dma_start3A_95 = arith.constant 0 : i32
    %dma_start3A_96 = arith.constant 0 : i32
    %dma_start3A_97 = tpu.memref_slice %arg2[%dma_start3A_95, %dma_start3A_96] : memref<1000000x16xf32, #tpu.memory_space<hbm>> -> memref<1000000x16xf32, #tpu.memory_space<hbm>>
    tpu.enqueue_indirect_dma source(%dma_start3A_97 : memref<1000000x16xf32, #tpu.memory_space<hbm>>) target(%dma_start3A_91 : memref<128x16xf32, #tpu.memory_space<vmem>>) offsets(%dma_start3A_94 : memref<128xi32, #tpu.memory_space<vmem>>) semaphore(%arg8 : memref<!tpu.dma_semaphore, #tpu.memory_space<semaphore_mem>>)
    %scan3A = arith.constant 0 : i32
    %scan3A_98 = arith.constant 0 : i32
    %scan3A_99 = arith.constant 25 : i32
    %scan3A_100 = arith.addi %scan3A_98, %scan3A_99 : i32
    %scan3A_101 = arith.constant 1 : i32
    %scan3A_102 = scf.for %scan3A_133 = %scan3A_98 to %scan3A_100 step %scan3A_101 iter_args(%scan3A_134 = %scan3A) -> (i32)  : i32 {
      %jit3A = arith.constant 2 : i32
      %eq3A = arith.constant 0 : i32
      %eq3A_135 = arith.cmpi eq, %jit3A, %eq3A : i32
      %jit3A_136 = arith.constant 1 : i32
      %select_n3A = arith.select %eq3A_135, %jit3A_136, %jit3A : i32
      %rem3A = arith.remsi %scan3A_133, %select_n3A : i32
      %ne3A = arith.constant 0 : i32
      %ne3A_137 = arith.cmpi ne, %rem3A, %ne3A : i32
      %lt3A = arith.constant 0 : i32
      %lt3A_138 = arith.cmpi slt, %rem3A, %lt3A : i32
      %lt3A_139 = arith.constant 0 : i32
      %lt3A_140 = arith.cmpi slt, %select_n3A, %lt3A_139 : i32
      %ne3A_141 = arith.xori %lt3A_138, %lt3A_140 : i1
      %and3A = arith.andi %ne3A_141, %ne3A_137 : i1
      %add3A_142 = arith.addi %rem3A, %select_n3A : i32
      %select_n3A_143 = arith.select %and3A, %add3A_142, %rem3A : i32
      %mul3A_144 = arith.constant 25 : i32
      %mul3A_145 = arith.muli %add3A, %mul3A_144 : i32
      %add3A_146 = arith.addi %mul3A_145, %scan3A_133 : i32
      %jit3A_147 = arith.constant 4 : i32
      %div3A = arith.divsi %add3A_146, %jit3A_147 : i32
      %sign3A = arith.constant 0 : i32
      %sign3A_148 = arith.cmpi sgt, %add3A_146, %sign3A : i32
      %sign3A_149 = arith.extui %sign3A_148 : i1 to i32
      %sign3A_150 = arith.constant 0 : i32
      %sign3A_151 = arith.cmpi slt, %add3A_146, %sign3A_150 : i32
      %sign3A_152 = arith.extui %sign3A_151 : i1 to i32
      %sign3A_153 = arith.subi %sign3A_149, %sign3A_152 : i32
      %sign3A_154 = arith.constant 0 : i32
      %sign3A_155 = arith.cmpi sgt, %jit3A_147, %sign3A_154 : i32
      %sign3A_156 = arith.extui %sign3A_155 : i1 to i32
      %sign3A_157 = arith.constant 0 : i32
      %sign3A_158 = arith.cmpi slt, %jit3A_147, %sign3A_157 : i32
      %sign3A_159 = arith.extui %sign3A_158 : i1 to i32
      %sign3A_160 = arith.subi %sign3A_156, %sign3A_159 : i32
      %ne3A_161 = arith.cmpi ne, %sign3A_153, %sign3A_160 : i32
      %rem3A_162 = arith.remsi %add3A_146, %jit3A_147 : i32
      %ne3A_163 = arith.constant 0 : i32
      %ne3A_164 = arith.cmpi ne, %rem3A_162, %ne3A_163 : i32
      %and3A_165 = arith.andi %ne3A_161, %ne3A_164 : i1
      %sub3A = arith.constant 1 : i32
      %sub3A_166 = arith.subi %div3A, %sub3A : i32
      %select_n3A_167 = arith.select %and3A_165, %sub3A_166, %div3A : i32
      %jit3A_168 = arith.constant 4 : i32
      %eq3A_169 = arith.constant 0 : i32
      %eq3A_170 = arith.cmpi eq, %jit3A_168, %eq3A_169 : i32
      %jit3A_171 = arith.constant 1 : i32
      %select_n3A_172 = arith.select %eq3A_170, %jit3A_171, %jit3A_168 : i32
      %rem3A_173 = arith.remsi %add3A_146, %select_n3A_172 : i32
      %ne3A_174 = arith.constant 0 : i32
      %ne3A_175 = arith.cmpi ne, %rem3A_173, %ne3A_174 : i32
      %lt3A_176 = arith.constant 0 : i32
      %lt3A_177 = arith.cmpi slt, %rem3A_173, %lt3A_176 : i32
      %lt3A_178 = arith.constant 0 : i32
      %lt3A_179 = arith.cmpi slt, %select_n3A_172, %lt3A_178 : i32
      %ne3A_180 = arith.xori %lt3A_177, %lt3A_179 : i1
      %and3A_181 = arith.andi %ne3A_180, %ne3A_175 : i1
      %add3A_182 = arith.addi %rem3A_173, %select_n3A_172 : i32
      %select_n3A_183 = arith.select %and3A_181, %add3A_182, %rem3A_173 : i32
      %dma_wait3A_184 = arith.constant 0 : i32
      %dma_wait3A_185 = arith.constant 0 : i32
      %dma_wait3A_186 = tpu.memref_slice %arg6[%select_n3A_143, %dma_wait3A_184, %dma_wait3A_185] : memref<2x1024x16xf32, #tpu.memory_space<vmem>> -> memref<1x1024x16xf32, #tpu.memory_space<vmem>>
      %dma_wait3A_187 = tpu.memref_squeeze %dma_wait3A_186 : memref<1x1024x16xf32, #tpu.memory_space<vmem>> -> memref<1024x16xf32, #tpu.memory_space<vmem>>
      %dma_wait3A_188 = arith.constant 0 : i32
      %dma_wait3A_189 = arith.constant 0 : i32
      %dma_wait3A_190 = tpu.memref_slice %arg2[%dma_wait3A_188, %dma_wait3A_189] : memref<1000000x16xf32, #tpu.memory_space<hbm>> -> memref<1024x16xf32, #tpu.memory_space<hbm>>
      %dma_wait3A_191 = arith.constant 0 : i32
      %dma_wait3A_192 = arith.constant 0 : i32
      %dma_wait3A_193 = tpu.memref_slice %arg6[%select_n3A_143, %dma_wait3A_191, %dma_wait3A_192] : memref<2x1024x16xf32, #tpu.memory_space<vmem>> -> memref<1x1024x16xf32, #tpu.memory_space<vmem>>
      %dma_wait3A_194 = tpu.memref_squeeze %dma_wait3A_193 : memref<1x1024x16xf32, #tpu.memory_space<vmem>> -> memref<1024x16xf32, #tpu.memory_space<vmem>>
      %dma_wait3A_195 = arith.constant 0 : i32
      %dma_wait3A_196 = arith.constant 0 : i32
      %dma_wait3A_197 = tpu.memref_slice %arg2[%dma_wait3A_195, %dma_wait3A_196] : memref<1000000x16xf32, #tpu.memory_space<hbm>> -> memref<1024x16xf32, #tpu.memory_space<hbm>>
      tpu.wait_dma2 semaphore(%arg8 : memref<!tpu.dma_semaphore, #tpu.memory_space<semaphore_mem>>) src(%dma_wait3A_197 : memref<1024x16xf32, #tpu.memory_space<hbm>>) dst(%dma_wait3A_194 : memref<1024x16xf32, #tpu.memory_space<vmem>>)
      %add3A_198 = arith.constant 1 : i32
      %add3A_199 = arith.addi %scan3A_133, %add3A_198 : i32
      %lt3A_200 = arith.constant 25 : i32
      %lt3A_201 = arith.cmpi slt, %add3A_199, %lt3A_200 : i32
      %convert_element_type3A = arith.extui %lt3A_201 : i1 to i32
      %cond3A = arith.constant 0 : i32
      %cond3A_202 = arith.cmpi ne, %convert_element_type3A, %cond3A : i32
      scf.if %cond3A_202 {
        %add3A_224 = arith.constant 1 : i32
        %add3A_225 = arith.addi %scan3A_133, %add3A_224 : i32
        %mul3A_226 = arith.constant 8 : i32
        %mul3A_227 = arith.muli %add3A_225, %mul3A_226 : i32
        %add3A_228 = arith.constant 0 : i32
        %add3A_229 = arith.addi %mul3A_227, %add3A_228 : i32
        %add3A_230 = arith.constant 1 : i32
        %add3A_231 = arith.addi %scan3A_133, %add3A_230 : i32
        %jit3A_232 = arith.constant 2 : i32
        %eq3A_233 = arith.constant 0 : i32
        %eq3A_234 = arith.cmpi eq, %jit3A_232, %eq3A_233 : i32
        %jit3A_235 = arith.constant 1 : i32
        %select_n3A_236 = arith.select %eq3A_234, %jit3A_235, %jit3A_232 : i32
        %rem3A_237 = arith.remsi %add3A_231, %select_n3A_236 : i32
        %ne3A_238 = arith.constant 0 : i32
        %ne3A_239 = arith.cmpi ne, %rem3A_237, %ne3A_238 : i32
        %lt3A_240 = arith.constant 0 : i32
        %lt3A_241 = arith.cmpi slt, %rem3A_237, %lt3A_240 : i32
        %lt3A_242 = arith.constant 0 : i32
        %lt3A_243 = arith.cmpi slt, %select_n3A_236, %lt3A_242 : i32
        %ne3A_244 = arith.xori %lt3A_241, %lt3A_243 : i1
        %and3A_245 = arith.andi %ne3A_244, %ne3A_239 : i1
        %add3A_246 = arith.addi %rem3A_237, %select_n3A_236 : i32
        %select_n3A_247 = arith.select %and3A_245, %add3A_246, %rem3A_237 : i32
        %dma_start3A_248 = arith.constant 0 : i32
        %dma_start3A_249 = arith.constant 0 : i32
        %dma_start3A_250 = tpu.memref_slice %arg6[%select_n3A_247, %dma_start3A_248, %dma_start3A_249] : memref<2x1024x16xf32, #tpu.memory_space<vmem>> -> memref<1x128x16xf32, #tpu.memory_space<vmem>>
        %dma_start3A_251 = tpu.memref_squeeze %dma_start3A_250 : memref<1x128x16xf32, #tpu.memory_space<vmem>> -> memref<128x16xf32, #tpu.memory_space<vmem>>
        %dma_start3A_252 = arith.constant 0 : i32
        %dma_start3A_253 = tpu.memref_slice %arg5[%add3A_229, %dma_start3A_252] : memref<200x128xi32, #tpu.memory_space<vmem>> -> memref<1x128xi32, #tpu.memory_space<vmem>>
        %dma_start3A_254 = tpu.memref_squeeze %dma_start3A_253 : memref<1x128xi32, #tpu.memory_space<vmem>> -> memref<128xi32, #tpu.memory_space<vmem>>
        %dma_start3A_255 = arith.constant 0 : i32
        %dma_start3A_256 = arith.constant 0 : i32
        %dma_start3A_257 = tpu.memref_slice %arg2[%dma_start3A_255, %dma_start3A_256] : memref<1000000x16xf32, #tpu.memory_space<hbm>> -> memref<1000000x16xf32, #tpu.memory_space<hbm>>
        tpu.enqueue_indirect_dma source(%dma_start3A_257 : memref<1000000x16xf32, #tpu.memory_space<hbm>>) target(%dma_start3A_251 : memref<128x16xf32, #tpu.memory_space<vmem>>) offsets(%dma_start3A_254 : memref<128xi32, #tpu.memory_space<vmem>>) semaphore(%arg8 : memref<!tpu.dma_semaphore, #tpu.memory_space<semaphore_mem>>)
        %add3A_258 = arith.constant 1 : i32
        %add3A_259 = arith.addi %scan3A_133, %add3A_258 : i32
        %mul3A_260 = arith.constant 8 : i32
        %mul3A_261 = arith.muli %add3A_259, %mul3A_260 : i32
        %add3A_262 = arith.constant 1 : i32
        %add3A_263 = arith.addi %mul3A_261, %add3A_262 : i32
        %add3A_264 = arith.constant 1 : i32
        %add3A_265 = arith.addi %scan3A_133, %add3A_264 : i32
        %jit3A_266 = arith.constant 2 : i32
        %eq3A_267 = arith.constant 0 : i32
        %eq3A_268 = arith.cmpi eq, %jit3A_266, %eq3A_267 : i32
        %jit3A_269 = arith.constant 1 : i32
        %select_n3A_270 = arith.select %eq3A_268, %jit3A_269, %jit3A_266 : i32
        %rem3A_271 = arith.remsi %add3A_265, %select_n3A_270 : i32
        %ne3A_272 = arith.constant 0 : i32
        %ne3A_273 = arith.cmpi ne, %rem3A_271, %ne3A_272 : i32
        %lt3A_274 = arith.constant 0 : i32
        %lt3A_275 = arith.cmpi slt, %rem3A_271, %lt3A_274 : i32
        %lt3A_276 = arith.constant 0 : i32
        %lt3A_277 = arith.cmpi slt, %select_n3A_270, %lt3A_276 : i32
        %ne3A_278 = arith.xori %lt3A_275, %lt3A_277 : i1
        %and3A_279 = arith.andi %ne3A_278, %ne3A_273 : i1
        %add3A_280 = arith.addi %rem3A_271, %select_n3A_270 : i32
        %select_n3A_281 = arith.select %and3A_279, %add3A_280, %rem3A_271 : i32
        %dma_start3A_282 = arith.constant 128 : i32
        %dma_start3A_283 = arith.constant 0 : i32
        %dma_start3A_284 = tpu.memref_slice %arg6[%select_n3A_281, %dma_start3A_282, %dma_start3A_283] : memref<2x1024x16xf32, #tpu.memory_space<vmem>> -> memref<1x128x16xf32, #tpu.memory_space<vmem>>
        %dma_start3A_285 = tpu.memref_squeeze %dma_start3A_284 : memref<1x128x16xf32, #tpu.memory_space<vmem>> -> memref<128x16xf32, #tpu.memory_space<vmem>>
        %dma_start3A_286 = arith.constant 0 : i32
        %dma_start3A_287 = tpu.memref_slice %arg5[%add3A_263, %dma_start3A_286] : memref<200x128xi32, #tpu.memory_space<vmem>> -> memref<1x128xi32, #tpu.memory_space<vmem>>
        %dma_start3A_288 = tpu.memref_squeeze %dma_start3A_287 : memref<1x128xi32, #tpu.memory_space<vmem>> -> memref<128xi32, #tpu.memory_space<vmem>>
        %dma_start3A_289 = arith.constant 0 : i32
        %dma_start3A_290 = arith.constant 0 : i32
        %dma_start3A_291 = tpu.memref_slice %arg2[%dma_start3A_289, %dma_start3A_290] : memref<1000000x16xf32, #tpu.memory_space<hbm>> -> memref<1000000x16xf32, #tpu.memory_space<hbm>>
        tpu.enqueue_indirect_dma source(%dma_start3A_291 : memref<1000000x16xf32, #tpu.memory_space<hbm>>) target(%dma_start3A_285 : memref<128x16xf32, #tpu.memory_space<vmem>>) offsets(%dma_start3A_288 : memref<128xi32, #tpu.memory_space<vmem>>) semaphore(%arg8 : memref<!tpu.dma_semaphore, #tpu.memory_space<semaphore_mem>>)
        %add3A_292 = arith.constant 1 : i32
        %add3A_293 = arith.addi %scan3A_133, %add3A_292 : i32
        %mul3A_294 = arith.constant 8 : i32
        %mul3A_295 = arith.muli %add3A_293, %mul3A_294 : i32
        %add3A_296 = arith.constant 2 : i32
        %add3A_297 = arith.addi %mul3A_295, %add3A_296 : i32
        %add3A_298 = arith.constant 1 : i32
        %add3A_299 = arith.addi %scan3A_133, %add3A_298 : i32
        %jit3A_300 = arith.constant 2 : i32
        %eq3A_301 = arith.constant 0 : i32
        %eq3A_302 = arith.cmpi eq, %jit3A_300, %eq3A_301 : i32
        %jit3A_303 = arith.constant 1 : i32
        %select_n3A_304 = arith.select %eq3A_302, %jit3A_303, %jit3A_300 : i32
        %rem3A_305 = arith.remsi %add3A_299, %select_n3A_304 : i32
        %ne3A_306 = arith.constant 0 : i32
        %ne3A_307 = arith.cmpi ne, %rem3A_305, %ne3A_306 : i32
        %lt3A_308 = arith.constant 0 : i32
        %lt3A_309 = arith.cmpi slt, %rem3A_305, %lt3A_308 : i32
        %lt3A_310 = arith.constant 0 : i32
        %lt3A_311 = arith.cmpi slt, %select_n3A_304, %lt3A_310 : i32
        %ne3A_312 = arith.xori %lt3A_309, %lt3A_311 : i1
        %and3A_313 = arith.andi %ne3A_312, %ne3A_307 : i1
        %add3A_314 = arith.addi %rem3A_305, %select_n3A_304 : i32
        %select_n3A_315 = arith.select %and3A_313, %add3A_314, %rem3A_305 : i32
        %dma_start3A_316 = arith.constant 256 : i32
        %dma_start3A_317 = arith.constant 0 : i32
        %dma_start3A_318 = tpu.memref_slice %arg6[%select_n3A_315, %dma_start3A_316, %dma_start3A_317] : memref<2x1024x16xf32, #tpu.memory_space<vmem>> -> memref<1x128x16xf32, #tpu.memory_space<vmem>>
        %dma_start3A_319 = tpu.memref_squeeze %dma_start3A_318 : memref<1x128x16xf32, #tpu.memory_space<vmem>> -> memref<128x16xf32, #tpu.memory_space<vmem>>
        %dma_start3A_320 = arith.constant 0 : i32
        %dma_start3A_321 = tpu.memref_slice %arg5[%add3A_297, %dma_start3A_320] : memref<200x128xi32, #tpu.memory_space<vmem>> -> memref<1x128xi32, #tpu.memory_space<vmem>>
        %dma_start3A_322 = tpu.memref_squeeze %dma_start3A_321 : memref<1x128xi32, #tpu.memory_space<vmem>> -> memref<128xi32, #tpu.memory_space<vmem>>
        %dma_start3A_323 = arith.constant 0 : i32
        %dma_start3A_324 = arith.constant 0 : i32
        %dma_start3A_325 = tpu.memref_slice %arg2[%dma_start3A_323, %dma_start3A_324] : memref<1000000x16xf32, #tpu.memory_space<hbm>> -> memref<1000000x16xf32, #tpu.memory_space<hbm>>
        tpu.enqueue_indirect_dma source(%dma_start3A_325 : memref<1000000x16xf32, #tpu.memory_space<hbm>>) target(%dma_start3A_319 : memref<128x16xf32, #tpu.memory_space<vmem>>) offsets(%dma_start3A_322 : memref<128xi32, #tpu.memory_space<vmem>>) semaphore(%arg8 : memref<!tpu.dma_semaphore, #tpu.memory_space<semaphore_mem>>)
        %add3A_326 = arith.constant 1 : i32
        %add3A_327 = arith.addi %scan3A_133, %add3A_326 : i32
        %mul3A_328 = arith.constant 8 : i32
        %mul3A_329 = arith.muli %add3A_327, %mul3A_328 : i32
        %add3A_330 = arith.constant 3 : i32
        %add3A_331 = arith.addi %mul3A_329, %add3A_330 : i32
        %add3A_332 = arith.constant 1 : i32
        %add3A_333 = arith.addi %scan3A_133, %add3A_332 : i32
        %jit3A_334 = arith.constant 2 : i32
        %eq3A_335 = arith.constant 0 : i32
        %eq3A_336 = arith.cmpi eq, %jit3A_334, %eq3A_335 : i32
        %jit3A_337 = arith.constant 1 : i32
        %select_n3A_338 = arith.select %eq3A_336, %jit3A_337, %jit3A_334 : i32
        %rem3A_339 = arith.remsi %add3A_333, %select_n3A_338 : i32
        %ne3A_340 = arith.constant 0 : i32
        %ne3A_341 = arith.cmpi ne, %rem3A_339, %ne3A_340 : i32
        %lt3A_342 = arith.constant 0 : i32
        %lt3A_343 = arith.cmpi slt, %rem3A_339, %lt3A_342 : i32
        %lt3A_344 = arith.constant 0 : i32
        %lt3A_345 = arith.cmpi slt, %select_n3A_338, %lt3A_344 : i32
        %ne3A_346 = arith.xori %lt3A_343, %lt3A_345 : i1
        %and3A_347 = arith.andi %ne3A_346, %ne3A_341 : i1
        %add3A_348 = arith.addi %rem3A_339, %select_n3A_338 : i32
        %select_n3A_349 = arith.select %and3A_347, %add3A_348, %rem3A_339 : i32
        %dma_start3A_350 = arith.constant 384 : i32
        %dma_start3A_351 = arith.constant 0 : i32
        %dma_start3A_352 = tpu.memref_slice %arg6[%select_n3A_349, %dma_start3A_350, %dma_start3A_351] : memref<2x1024x16xf32, #tpu.memory_space<vmem>> -> memref<1x128x16xf32, #tpu.memory_space<vmem>>
        %dma_start3A_353 = tpu.memref_squeeze %dma_start3A_352 : memref<1x128x16xf32, #tpu.memory_space<vmem>> -> memref<128x16xf32, #tpu.memory_space<vmem>>
        %dma_start3A_354 = arith.constant 0 : i32
        %dma_start3A_355 = tpu.memref_slice %arg5[%add3A_331, %dma_start3A_354] : memref<200x128xi32, #tpu.memory_space<vmem>> -> memref<1x128xi32, #tpu.memory_space<vmem>>
        %dma_start3A_356 = tpu.memref_squeeze %dma_start3A_355 : memref<1x128xi32, #tpu.memory_space<vmem>> -> memref<128xi32, #tpu.memory_space<vmem>>
        %dma_start3A_357 = arith.constant 0 : i32
        %dma_start3A_358 = arith.constant 0 : i32
        %dma_start3A_359 = tpu.memref_slice %arg2[%dma_start3A_357, %dma_start3A_358] : memref<1000000x16xf32, #tpu.memory_space<hbm>> -> memref<1000000x16xf32, #tpu.memory_space<hbm>>
        tpu.enqueue_indirect_dma source(%dma_start3A_359 : memref<1000000x16xf32, #tpu.memory_space<hbm>>) target(%dma_start3A_353 : memref<128x16xf32, #tpu.memory_space<vmem>>) offsets(%dma_start3A_356 : memref<128xi32, #tpu.memory_space<vmem>>) semaphore(%arg8 : memref<!tpu.dma_semaphore, #tpu.memory_space<semaphore_mem>>)
        %add3A_360 = arith.constant 1 : i32
        %add3A_361 = arith.addi %scan3A_133, %add3A_360 : i32
        %mul3A_362 = arith.constant 8 : i32
        %mul3A_363 = arith.muli %add3A_361, %mul3A_362 : i32
        %add3A_364 = arith.constant 4 : i32
        %add3A_365 = arith.addi %mul3A_363, %add3A_364 : i32
        %add3A_366 = arith.constant 1 : i32
        %add3A_367 = arith.addi %scan3A_133, %add3A_366 : i32
        %jit3A_368 = arith.constant 2 : i32
        %eq3A_369 = arith.constant 0 : i32
        %eq3A_370 = arith.cmpi eq, %jit3A_368, %eq3A_369 : i32
        %jit3A_371 = arith.constant 1 : i32
        %select_n3A_372 = arith.select %eq3A_370, %jit3A_371, %jit3A_368 : i32
        %rem3A_373 = arith.remsi %add3A_367, %select_n3A_372 : i32
        %ne3A_374 = arith.constant 0 : i32
        %ne3A_375 = arith.cmpi ne, %rem3A_373, %ne3A_374 : i32
        %lt3A_376 = arith.constant 0 : i32
        %lt3A_377 = arith.cmpi slt, %rem3A_373, %lt3A_376 : i32
        %lt3A_378 = arith.constant 0 : i32
        %lt3A_379 = arith.cmpi slt, %select_n3A_372, %lt3A_378 : i32
        %ne3A_380 = arith.xori %lt3A_377, %lt3A_379 : i1
        %and3A_381 = arith.andi %ne3A_380, %ne3A_375 : i1
        %add3A_382 = arith.addi %rem3A_373, %select_n3A_372 : i32
        %select_n3A_383 = arith.select %and3A_381, %add3A_382, %rem3A_373 : i32
        %dma_start3A_384 = arith.constant 512 : i32
        %dma_start3A_385 = arith.constant 0 : i32
        %dma_start3A_386 = tpu.memref_slice %arg6[%select_n3A_383, %dma_start3A_384, %dma_start3A_385] : memref<2x1024x16xf32, #tpu.memory_space<vmem>> -> memref<1x128x16xf32, #tpu.memory_space<vmem>>
        %dma_start3A_387 = tpu.memref_squeeze %dma_start3A_386 : memref<1x128x16xf32, #tpu.memory_space<vmem>> -> memref<128x16xf32, #tpu.memory_space<vmem>>
        %dma_start3A_388 = arith.constant 0 : i32
        %dma_start3A_389 = tpu.memref_slice %arg5[%add3A_365, %dma_start3A_388] : memref<200x128xi32, #tpu.memory_space<vmem>> -> memref<1x128xi32, #tpu.memory_space<vmem>>
        %dma_start3A_390 = tpu.memref_squeeze %dma_start3A_389 : memref<1x128xi32, #tpu.memory_space<vmem>> -> memref<128xi32, #tpu.memory_space<vmem>>
        %dma_start3A_391 = arith.constant 0 : i32
        %dma_start3A_392 = arith.constant 0 : i32
        %dma_start3A_393 = tpu.memref_slice %arg2[%dma_start3A_391, %dma_start3A_392] : memref<1000000x16xf32, #tpu.memory_space<hbm>> -> memref<1000000x16xf32, #tpu.memory_space<hbm>>
        tpu.enqueue_indirect_dma source(%dma_start3A_393 : memref<1000000x16xf32, #tpu.memory_space<hbm>>) target(%dma_start3A_387 : memref<128x16xf32, #tpu.memory_space<vmem>>) offsets(%dma_start3A_390 : memref<128xi32, #tpu.memory_space<vmem>>) semaphore(%arg8 : memref<!tpu.dma_semaphore, #tpu.memory_space<semaphore_mem>>)
        %add3A_394 = arith.constant 1 : i32
        %add3A_395 = arith.addi %scan3A_133, %add3A_394 : i32
        %mul3A_396 = arith.constant 8 : i32
        %mul3A_397 = arith.muli %add3A_395, %mul3A_396 : i32
        %add3A_398 = arith.constant 5 : i32
        %add3A_399 = arith.addi %mul3A_397, %add3A_398 : i32
        %add3A_400 = arith.constant 1 : i32
        %add3A_401 = arith.addi %scan3A_133, %add3A_400 : i32
        %jit3A_402 = arith.constant 2 : i32
        %eq3A_403 = arith.constant 0 : i32
        %eq3A_404 = arith.cmpi eq, %jit3A_402, %eq3A_403 : i32
        %jit3A_405 = arith.constant 1 : i32
        %select_n3A_406 = arith.select %eq3A_404, %jit3A_405, %jit3A_402 : i32
        %rem3A_407 = arith.remsi %add3A_401, %select_n3A_406 : i32
        %ne3A_408 = arith.constant 0 : i32
        %ne3A_409 = arith.cmpi ne, %rem3A_407, %ne3A_408 : i32
        %lt3A_410 = arith.constant 0 : i32
        %lt3A_411 = arith.cmpi slt, %rem3A_407, %lt3A_410 : i32
        %lt3A_412 = arith.constant 0 : i32
        %lt3A_413 = arith.cmpi slt, %select_n3A_406, %lt3A_412 : i32
        %ne3A_414 = arith.xori %lt3A_411, %lt3A_413 : i1
        %and3A_415 = arith.andi %ne3A_414, %ne3A_409 : i1
        %add3A_416 = arith.addi %rem3A_407, %select_n3A_406 : i32
        %select_n3A_417 = arith.select %and3A_415, %add3A_416, %rem3A_407 : i32
        %dma_start3A_418 = arith.constant 640 : i32
        %dma_start3A_419 = arith.constant 0 : i32
        %dma_start3A_420 = tpu.memref_slice %arg6[%select_n3A_417, %dma_start3A_418, %dma_start3A_419] : memref<2x1024x16xf32, #tpu.memory_space<vmem>> -> memref<1x128x16xf32, #tpu.memory_space<vmem>>
        %dma_start3A_421 = tpu.memref_squeeze %dma_start3A_420 : memref<1x128x16xf32, #tpu.memory_space<vmem>> -> memref<128x16xf32, #tpu.memory_space<vmem>>
        %dma_start3A_422 = arith.constant 0 : i32
        %dma_start3A_423 = tpu.memref_slice %arg5[%add3A_399, %dma_start3A_422] : memref<200x128xi32, #tpu.memory_space<vmem>> -> memref<1x128xi32, #tpu.memory_space<vmem>>
        %dma_start3A_424 = tpu.memref_squeeze %dma_start3A_423 : memref<1x128xi32, #tpu.memory_space<vmem>> -> memref<128xi32, #tpu.memory_space<vmem>>
        %dma_start3A_425 = arith.constant 0 : i32
        %dma_start3A_426 = arith.constant 0 : i32
        %dma_start3A_427 = tpu.memref_slice %arg2[%dma_start3A_425, %dma_start3A_426] : memref<1000000x16xf32, #tpu.memory_space<hbm>> -> memref<1000000x16xf32, #tpu.memory_space<hbm>>
        tpu.enqueue_indirect_dma source(%dma_start3A_427 : memref<1000000x16xf32, #tpu.memory_space<hbm>>) target(%dma_start3A_421 : memref<128x16xf32, #tpu.memory_space<vmem>>) offsets(%dma_start3A_424 : memref<128xi32, #tpu.memory_space<vmem>>) semaphore(%arg8 : memref<!tpu.dma_semaphore, #tpu.memory_space<semaphore_mem>>)
        %add3A_428 = arith.constant 1 : i32
        %add3A_429 = arith.addi %scan3A_133, %add3A_428 : i32
        %mul3A_430 = arith.constant 8 : i32
        %mul3A_431 = arith.muli %add3A_429, %mul3A_430 : i32
        %add3A_432 = arith.constant 6 : i32
        %add3A_433 = arith.addi %mul3A_431, %add3A_432 : i32
        %add3A_434 = arith.constant 1 : i32
        %add3A_435 = arith.addi %scan3A_133, %add3A_434 : i32
        %jit3A_436 = arith.constant 2 : i32
        %eq3A_437 = arith.constant 0 : i32
        %eq3A_438 = arith.cmpi eq, %jit3A_436, %eq3A_437 : i32
        %jit3A_439 = arith.constant 1 : i32
        %select_n3A_440 = arith.select %eq3A_438, %jit3A_439, %jit3A_436 : i32
        %rem3A_441 = arith.remsi %add3A_435, %select_n3A_440 : i32
        %ne3A_442 = arith.constant 0 : i32
        %ne3A_443 = arith.cmpi ne, %rem3A_441, %ne3A_442 : i32
        %lt3A_444 = arith.constant 0 : i32
        %lt3A_445 = arith.cmpi slt, %rem3A_441, %lt3A_444 : i32
        %lt3A_446 = arith.constant 0 : i32
        %lt3A_447 = arith.cmpi slt, %select_n3A_440, %lt3A_446 : i32
        %ne3A_448 = arith.xori %lt3A_445, %lt3A_447 : i1
        %and3A_449 = arith.andi %ne3A_448, %ne3A_443 : i1
        %add3A_450 = arith.addi %rem3A_441, %select_n3A_440 : i32
        %select_n3A_451 = arith.select %and3A_449, %add3A_450, %rem3A_441 : i32
        %dma_start3A_452 = arith.constant 768 : i32
        %dma_start3A_453 = arith.constant 0 : i32
        %dma_start3A_454 = tpu.memref_slice %arg6[%select_n3A_451, %dma_start3A_452, %dma_start3A_453] : memref<2x1024x16xf32, #tpu.memory_space<vmem>> -> memref<1x128x16xf32, #tpu.memory_space<vmem>>
        %dma_start3A_455 = tpu.memref_squeeze %dma_start3A_454 : memref<1x128x16xf32, #tpu.memory_space<vmem>> -> memref<128x16xf32, #tpu.memory_space<vmem>>
        %dma_start3A_456 = arith.constant 0 : i32
        %dma_start3A_457 = tpu.memref_slice %arg5[%add3A_433, %dma_start3A_456] : memref<200x128xi32, #tpu.memory_space<vmem>> -> memref<1x128xi32, #tpu.memory_space<vmem>>
        %dma_start3A_458 = tpu.memref_squeeze %dma_start3A_457 : memref<1x128xi32, #tpu.memory_space<vmem>> -> memref<128xi32, #tpu.memory_space<vmem>>
        %dma_start3A_459 = arith.constant 0 : i32
        %dma_start3A_460 = arith.constant 0 : i32
        %dma_start3A_461 = tpu.memref_slice %arg2[%dma_start3A_459, %dma_start3A_460] : memref<1000000x16xf32, #tpu.memory_space<hbm>> -> memref<1000000x16xf32, #tpu.memory_space<hbm>>
        tpu.enqueue_indirect_dma source(%dma_start3A_461 : memref<1000000x16xf32, #tpu.memory_space<hbm>>) target(%dma_start3A_455 : memref<128x16xf32, #tpu.memory_space<vmem>>) offsets(%dma_start3A_458 : memref<128xi32, #tpu.memory_space<vmem>>) semaphore(%arg8 : memref<!tpu.dma_semaphore, #tpu.memory_space<semaphore_mem>>)
        %add3A_462 = arith.constant 1 : i32
        %add3A_463 = arith.addi %scan3A_133, %add3A_462 : i32
        %mul3A_464 = arith.constant 8 : i32
        %mul3A_465 = arith.muli %add3A_463, %mul3A_464 : i32
        %add3A_466 = arith.constant 7 : i32
        %add3A_467 = arith.addi %mul3A_465, %add3A_466 : i32
        %add3A_468 = arith.constant 1 : i32
        %add3A_469 = arith.addi %scan3A_133, %add3A_468 : i32
        %jit3A_470 = arith.constant 2 : i32
        %eq3A_471 = arith.constant 0 : i32
        %eq3A_472 = arith.cmpi eq, %jit3A_470, %eq3A_471 : i32
        %jit3A_473 = arith.constant 1 : i32
        %select_n3A_474 = arith.select %eq3A_472, %jit3A_473, %jit3A_470 : i32
        %rem3A_475 = arith.remsi %add3A_469, %select_n3A_474 : i32
        %ne3A_476 = arith.constant 0 : i32
        %ne3A_477 = arith.cmpi ne, %rem3A_475, %ne3A_476 : i32
        %lt3A_478 = arith.constant 0 : i32
        %lt3A_479 = arith.cmpi slt, %rem3A_475, %lt3A_478 : i32
        %lt3A_480 = arith.constant 0 : i32
        %lt3A_481 = arith.cmpi slt, %select_n3A_474, %lt3A_480 : i32
        %ne3A_482 = arith.xori %lt3A_479, %lt3A_481 : i1
        %and3A_483 = arith.andi %ne3A_482, %ne3A_477 : i1
        %add3A_484 = arith.addi %rem3A_475, %select_n3A_474 : i32
        %select_n3A_485 = arith.select %and3A_483, %add3A_484, %rem3A_475 : i32
        %dma_start3A_486 = arith.constant 896 : i32
        %dma_start3A_487 = arith.constant 0 : i32
        %dma_start3A_488 = tpu.memref_slice %arg6[%select_n3A_485, %dma_start3A_486, %dma_start3A_487] : memref<2x1024x16xf32, #tpu.memory_space<vmem>> -> memref<1x128x16xf32, #tpu.memory_space<vmem>>
        %dma_start3A_489 = tpu.memref_squeeze %dma_start3A_488 : memref<1x128x16xf32, #tpu.memory_space<vmem>> -> memref<128x16xf32, #tpu.memory_space<vmem>>
        %dma_start3A_490 = arith.constant 0 : i32
        %dma_start3A_491 = tpu.memref_slice %arg5[%add3A_467, %dma_start3A_490] : memref<200x128xi32, #tpu.memory_space<vmem>> -> memref<1x128xi32, #tpu.memory_space<vmem>>
        %dma_start3A_492 = tpu.memref_squeeze %dma_start3A_491 : memref<1x128xi32, #tpu.memory_space<vmem>> -> memref<128xi32, #tpu.memory_space<vmem>>
        %dma_start3A_493 = arith.constant 0 : i32
        %dma_start3A_494 = arith.constant 0 : i32
        %dma_start3A_495 = tpu.memref_slice %arg2[%dma_start3A_493, %dma_start3A_494] : memref<1000000x16xf32, #tpu.memory_space<hbm>> -> memref<1000000x16xf32, #tpu.memory_space<hbm>>
        tpu.enqueue_indirect_dma source(%dma_start3A_495 : memref<1000000x16xf32, #tpu.memory_space<hbm>>) target(%dma_start3A_489 : memref<128x16xf32, #tpu.memory_space<vmem>>) offsets(%dma_start3A_492 : memref<128xi32, #tpu.memory_space<vmem>>) semaphore(%arg8 : memref<!tpu.dma_semaphore, #tpu.memory_space<semaphore_mem>>)
      } else {
      }
      %ge3A = arith.constant 2 : i32
      %ge3A_203 = arith.cmpi sge, %scan3A_133, %ge3A : i32
      %convert_element_type3A_204 = arith.extui %ge3A_203 : i1 to i32
      %cond3A_205 = arith.constant 0 : i32
      %cond3A_206 = arith.cmpi ne, %convert_element_type3A_204, %cond3A_205 : i32
      scf.if %cond3A_206 {
        %dma_wait3A_224 = arith.constant 0 : i32
        %dma_wait3A_225 = arith.constant 0 : i32
        %dma_wait3A_226 = tpu.memref_slice %arg7[%select_n3A_143, %dma_wait3A_224, %dma_wait3A_225] : memref<2x16x1024xf32, #tpu.memory_space<vmem>> -> memref<1x16x1024xf32, #tpu.memory_space<vmem>>
        %dma_wait3A_227 = tpu.memref_squeeze %dma_wait3A_226 : memref<1x16x1024xf32, #tpu.memory_space<vmem>> -> memref<16x1024xf32, #tpu.memory_space<vmem>>
        %dma_wait3A_228 = arith.constant 0 : i32
        %dma_wait3A_229 = arith.constant 0 : i32
        %dma_wait3A_230 = tpu.memref_slice %arg2[%dma_wait3A_228, %dma_wait3A_229] : memref<1000000x16xf32, #tpu.memory_space<hbm>> -> memref<16x16xf32, #tpu.memory_space<hbm>>
        %dma_wait3A_231 = arith.constant 0 : i32
        %dma_wait3A_232 = arith.constant 0 : i32
        %dma_wait3A_233 = tpu.memref_slice %arg7[%select_n3A_143, %dma_wait3A_231, %dma_wait3A_232] : memref<2x16x1024xf32, #tpu.memory_space<vmem>> -> memref<1x16x1024xf32, #tpu.memory_space<vmem>>
        %dma_wait3A_234 = tpu.memref_squeeze %dma_wait3A_233 : memref<1x16x1024xf32, #tpu.memory_space<vmem>> -> memref<16x1024xf32, #tpu.memory_space<vmem>>
        %dma_wait3A_235 = arith.constant 0 : i32
        %dma_wait3A_236 = arith.constant 0 : i32
        %dma_wait3A_237 = tpu.memref_slice %arg2[%dma_wait3A_235, %dma_wait3A_236] : memref<1000000x16xf32, #tpu.memory_space<hbm>> -> memref<16x16xf32, #tpu.memory_space<hbm>>
        tpu.wait_dma2 semaphore(%arg9 : memref<!tpu.dma_semaphore, #tpu.memory_space<semaphore_mem>>) src(%dma_wait3A_237 : memref<16x16xf32, #tpu.memory_space<hbm>>) dst(%dma_wait3A_234 : memref<16x1024xf32, #tpu.memory_space<vmem>>)
      } else {
      }
      %broadcast_in_dim3A = vector.broadcast %select_n3A_143 : i32 to vector<16xi32>
      %broadcast_in_dim3A_207 = arith.constant 0 : i32
      %broadcast_in_dim3A_208 = vector.broadcast %broadcast_in_dim3A_207 : i32 to vector<16xi32>
      %mul3A_209 = arith.constant 16 : i32
      %mul3A_210 = arith.muli %select_n3A_167, %mul3A_209 : i32
      %mul3A_211 = arith.constant 1024 : i32
      %mul3A_212 = arith.muli %select_n3A_183, %mul3A_211 : i32
      %dma_start3A_213 = arith.constant 0 : i32
      %dma_start3A_214 = arith.constant 0 : i32
      %dma_start3A_215 = tpu.memref_slice %arg7[%select_n3A_143, %dma_start3A_213, %dma_start3A_214] : memref<2x16x1024xf32, #tpu.memory_space<vmem>> -> memref<1x16x1024xf32, #tpu.memory_space<vmem>>
      %dma_start3A_216 = tpu.memref_squeeze %dma_start3A_215 : memref<1x16x1024xf32, #tpu.memory_space<vmem>> -> memref<16x1024xf32, #tpu.memory_space<vmem>>
      %dma_start3A_217 = tpu.memref_slice %arg4[%mul3A_210, %mul3A_212] : memref<3200x4096xf32, #tpu.memory_space<hbm>> -> memref<16x1024xf32, #tpu.memory_space<hbm>>
      %dma_start3A_218 = tpu.memref_slice %arg4[%mul3A_210, %mul3A_212] : memref<3200x4096xf32, #tpu.memory_space<hbm>> -> memref<16x1024xf32, #tpu.memory_space<hbm>>
      %dma_start3A_219 = arith.constant 0 : i32
      %dma_start3A_220 = arith.constant 0 : i32
      %dma_start3A_221 = tpu.memref_slice %arg7[%select_n3A_143, %dma_start3A_219, %dma_start3A_220] : memref<2x16x1024xf32, #tpu.memory_space<vmem>> -> memref<1x16x1024xf32, #tpu.memory_space<vmem>>
      %dma_start3A_222 = tpu.memref_squeeze %dma_start3A_221 : memref<1x16x1024xf32, #tpu.memory_space<vmem>> -> memref<16x1024xf32, #tpu.memory_space<vmem>>
      tpu.enqueue_dma source(%dma_start3A_222 : memref<16x1024xf32, #tpu.memory_space<vmem>>) target(%dma_start3A_218 : memref<16x1024xf32, #tpu.memory_space<hbm>>) target_semaphore(%arg9 : memref<!tpu.dma_semaphore, #tpu.memory_space<semaphore_mem>>)
      %scan3A_223 = arith.constant 0 : i32
      scf.yield %scan3A_223 : i32
    }
    %scan3A_103 = arith.constant 25 : i32
    %dma_wait3A = arith.constant 0 : i32
    %dma_wait3A_104 = arith.constant 0 : i32
    %dma_wait3A_105 = arith.constant 0 : i32
    %dma_wait3A_106 = tpu.memref_slice %arg7[%dma_wait3A, %dma_wait3A_104, %dma_wait3A_105] : memref<2x16x1024xf32, #tpu.memory_space<vmem>> -> memref<1x16x1024xf32, #tpu.memory_space<vmem>>
    %dma_wait3A_107 = tpu.memref_squeeze %dma_wait3A_106 : memref<1x16x1024xf32, #tpu.memory_space<vmem>> -> memref<16x1024xf32, #tpu.memory_space<vmem>>
    %dma_wait3A_108 = arith.constant 0 : i32
    %dma_wait3A_109 = arith.constant 0 : i32
    %dma_wait3A_110 = tpu.memref_slice %arg2[%dma_wait3A_108, %dma_wait3A_109] : memref<1000000x16xf32, #tpu.memory_space<hbm>> -> memref<16x16xf32, #tpu.memory_space<hbm>>
    %dma_wait3A_111 = arith.constant 0 : i32
    %dma_wait3A_112 = arith.constant 0 : i32
    %dma_wait3A_113 = tpu.memref_slice %arg7[%dma_wait3A, %dma_wait3A_111, %dma_wait3A_112] : memref<2x16x1024xf32, #tpu.memory_space<vmem>> -> memref<1x16x1024xf32, #tpu.memory_space<vmem>>
    %dma_wait3A_114 = tpu.memref_squeeze %dma_wait3A_113 : memref<1x16x1024xf32, #tpu.memory_space<vmem>> -> memref<16x1024xf32, #tpu.memory_space<vmem>>
    %dma_wait3A_115 = arith.constant 0 : i32
    %dma_wait3A_116 = arith.constant 0 : i32
    %dma_wait3A_117 = tpu.memref_slice %arg2[%dma_wait3A_115, %dma_wait3A_116] : memref<1000000x16xf32, #tpu.memory_space<hbm>> -> memref<16x16xf32, #tpu.memory_space<hbm>>
    tpu.wait_dma2 semaphore(%arg9 : memref<!tpu.dma_semaphore, #tpu.memory_space<semaphore_mem>>) src(%dma_wait3A_117 : memref<16x16xf32, #tpu.memory_space<hbm>>) dst(%dma_wait3A_114 : memref<16x1024xf32, #tpu.memory_space<vmem>>)
    %dma_wait3A_118 = arith.constant 1 : i32
    %dma_wait3A_119 = arith.constant 0 : i32
    %dma_wait3A_120 = arith.constant 0 : i32
    %dma_wait3A_121 = tpu.memref_slice %arg7[%dma_wait3A_118, %dma_wait3A_119, %dma_wait3A_120] : memref<2x16x1024xf32, #tpu.memory_space<vmem>> -> memref<1x16x1024xf32, #tpu.memory_space<vmem>>
    %dma_wait3A_122 = tpu.memref_squeeze %dma_wait3A_121 : memref<1x16x1024xf32, #tpu.memory_space<vmem>> -> memref<16x1024xf32, #tpu.memory_space<vmem>>
    %dma_wait3A_123 = arith.constant 0 : i32
    %dma_wait3A_124 = arith.constant 0 : i32
    %dma_wait3A_125 = tpu.memref_slice %arg2[%dma_wait3A_123, %dma_wait3A_124] : memref<1000000x16xf32, #tpu.memory_space<hbm>> -> memref<16x16xf32, #tpu.memory_space<hbm>>
    %dma_wait3A_126 = arith.constant 0 : i32
    %dma_wait3A_127 = arith.constant 0 : i32
    %dma_wait3A_128 = tpu.memref_slice %arg7[%dma_wait3A_118, %dma_wait3A_126, %dma_wait3A_127] : memref<2x16x1024xf32, #tpu.memory_space<vmem>> -> memref<1x16x1024xf32, #tpu.memory_space<vmem>>
    %dma_wait3A_129 = tpu.memref_squeeze %dma_wait3A_128 : memref<1x16x1024xf32, #tpu.memory_space<vmem>> -> memref<16x1024xf32, #tpu.memory_space<vmem>>
    %dma_wait3A_130 = arith.constant 0 : i32
    %dma_wait3A_131 = arith.constant 0 : i32
    %dma_wait3A_132 = tpu.memref_slice %arg2[%dma_wait3A_130, %dma_wait3A_131] : memref<1000000x16xf32, #tpu.memory_space<hbm>> -> memref<16x16xf32, #tpu.memory_space<hbm>>
    tpu.wait_dma2 semaphore(%arg9 : memref<!tpu.dma_semaphore, #tpu.memory_space<semaphore_mem>>) src(%dma_wait3A_132 : memref<16x16xf32, #tpu.memory_space<hbm>>) dst(%dma_wait3A_129 : memref<16x1024xf32, #tpu.memory_space<vmem>>)
    return
  }
}

</mosaic_0001>

<sc_bundles>
// kernel: _emb_lookup.3.cloned.1.call-start
scs
__scs_entry_jumppad:
0x0: {  	(pc) =	sbr.rel $0x88, $3  }
0x1: {  	(tag) =	ssettag $0x0;
	lr =	simm.s32 $0x1  }
0x2: {  	[smem:$0x3F9F] =	sst lr;
	_ =	strace $0xD0000000  }
0x3: {  	_ = 	snop  }
0x4: {  	_ = 	snop  }
0x5: {  	_ = 	snop  }
0x6: {  	_ = 	snop  }
0x7: {  	_ = 	snop  }
__scs_overlays_trampoline_lowered:
0x8: {  	[smem:$0x3FAE] =	sst s0  }
0x9: {  	[smem:$0x3FAF] =	sst s1  }
0xa: {  	[smem:$0x3FB0] =	sst s2  }
0xb: {  	[smem:$0x3FB1] =	sst s3  }
0xc: {  	[smem:$0x3FB2] =	sst s4  }
0xd: {  	[smem:$0x3FB3] =	sst s5  }
0xe: {  	[smem:$0x3FB4] =	sst s6  }
0xf: {  	[smem:$0x3FB5] =	sst s7  }
0x10: {  	[smem:$0x3FB6] =	sst s8  }
0x11: {  	[smem:$0x3FB7] =	sst s9;
	s0 =	simm.s32 @!p0 $0x0  }
0x12: {  	s1 =	sld [smem:$0x3F9D];
	s0 =	simm.s32 @p0 $0x1  }
0x13: {  	[smem:$0x3FB8] =	sst s0;
	s0 =	simm.s32 @!p1 $0x0  }
0x14: {  	s2 =	sld [smem:$0x3F9C];
	s0 =	simm.s32 @p1 $0x1  }
0x15: {  	[smem:$0x3FB9] =	sst s0;
	s0 =	simm.s32 @!p2 $0x0  }
0x16: {  	s3 =	sld [smem:$0x3FDB];
	s0 =	simm.s32 @p2 $0x1  }
0x17: {  	s4 =	simm.s32 $0x1BF5;
	[smem:$0x3FBB] =	sst s0  }
0x18: {  	s0 =	sld [smem:$0x3F9E];
	_ =	swait.ge [sflag:s4], $0x0  }
0x19: {  	s7 =	sld [smem:$0x3F9F]  }
0x1a: {  	s8 =	sadd.s32 $0xFFFFE003, lr  }
0x1b: {  	s9 =	sadd.s32 $0xFFFFFEF7, lr;
	s5 =	simm.s32 $0xFFFFFFFF;
	p2 =	slt.u32 s8, $0xFFFFF086  }
0x1c: {  	p1 =	slt.u32 s9, $0xF7A;
	s5 =	simm.s32 @!p2 $0x0  }
0x1d: {  	s5 =	simm.s32 @p1 $0x1;
	p0 =	seq.s32 s7, s2  }
0x1e: {  	s7 =	smul.u32 @!p0 $0xF7A, s2;
	p2 =	seq.s32 @!p0 s5, $0x0  }
0x1f: {  	s9 =	smul.u32 $0xF7A, s1;
	s8 =	simm.s32 @!p0 $0x1BF5;
	p2 =	por !p2, p0  }
0x20: {  	[sflag:s8] =	ssyncset.s32 @!p0 $0xFFFFF086;
	s6 =	sadd.s32 @!p0 s3, s7;
	s7 =	simm.s32 @!p0 $0x108  }
0x21: {  	s3 =	sadd.s32 s3, s9;
	s6 =	sadd.s32 @!p0 $0x88, s6;
	s7 =	simm.s32 @p2 $0x1082  }
0x22: {  	[simem:s7], [sflag:s8] =	dma.local @!p0 [hbm:s6], $0xF7A  }
0x23: {  	s9 =	sor.u32 $0xD0000000, s2;
	s6 =	simm.s32 $0x108;
	_ =	swait.ge @!p0 [sflag:s8], $0x0  }
0x24: {  	s3 =	sadd.s32 $0x88, s3;
	s6 =	simm.s32 @!p1 $0x1082;
	[sflag:s4] =	ssyncset.s32 $0xFFFFF086  }
0x25: {  	[simem:s6], [sflag:s4] =	dma.local [hbm:s3], $0xF7A  }
0x26: {  	[smem:$0x3F9F] =	sst s1;
	(tag) =	ssettag s2;
	_ =	strace s9  }
0x27: {  	s1 =	sld [smem:$0x3FAF]  }
0x28: {  	s2 =	sld [smem:$0x3FB0]  }
0x29: {  	s4 =	sld [smem:$0x3FB2]  }
0x2a: {  	p0 =	seq.s32 s5, $0x0;
	s5 =	sld [smem:$0x3FB3]  }
0x2b: {  	s6 =	sld [smem:$0x3FB4]  }
0x2c: {  	s7 =	sld [smem:$0x3FB5]  }
0x2d: {  	s3 =	simm.s32 $0x108;
	s8 =	sld [smem:$0x3FB6]  }
0x2e: {  	s3 =	simm.s32 @!p0 $0x1082;
	s9 =	sld [smem:$0x3FB7]  }
0x2f: {  	lr =	sadd.s32 s0, s3;
	s0 =	sld [smem:$0x3FAE]  }
0x30: {  	s3 =	sld [smem:$0x3FB1]  }
0x31: {  	[smem:$0x3FBA] =	sst s10  }
0x32: {  	s10 =	sld [smem:$0x3FB8];
	_ =	sdelay $0x3  }
0x33: {  	p0 =	seq.s32 s10, $0x1;
	s10 =	sld [smem:$0x3FBA];
	_ =	sdelay $0x3  }
0x34: {  	[smem:$0x3FBA] =	sst s10  }
0x35: {  	s10 =	sld [smem:$0x3FB9];
	_ =	sdelay $0x3  }
0x36: {  	p1 =	seq.s32 s10, $0x1;
	s10 =	sld [smem:$0x3FBA];
	_ =	sdelay $0x3  }
0x37: {  	[smem:$0x3FBA] =	sst s10  }
0x38: {  	s10 =	sld [smem:$0x3FBB]  }
0x39: {  	_ = 	snop;
	(pc) =	sbr.ind lr, $3  }
0x3a: {  	_ = 	snop  }
0x3b: {  	_ = 	snop  }
0x3c: {  	p2 =	seq.s32 s10, $0x1;
	s10 =	sld [smem:$0x3FBA]  }
0x3d: {  	_ =	shalt  }
0x3e: {  	_ =	shalt  }
0x3f: {  	_ =	shalt  }
0x40: {  	_ =	shalt  }
0x41: {  	_ =	shalt  }
0x42: {  	_ =	shalt  }
0x43: {  	_ =	shalt  }
0x44: {  	_ =	shalt  }
0x45: {  	_ =	shalt  }
0x46: {  	_ =	shalt  }
0x47: {  	_ =	shalt  }
0x48: {  	_ =	shalt  }
0x49: {  	_ =	shalt  }
0x4a: {  	_ =	shalt  }
0x4b: {  	_ =	shalt  }
0x4c: {  	_ =	shalt  }
0x4d: {  	_ =	shalt  }
0x4e: {  	_ =	shalt  }
0x4f: {  	_ =	shalt  }
0x50: {  	_ =	shalt  }
0x51: {  	_ =	shalt  }
0x52: {  	_ =	shalt  }
0x53: {  	_ =	shalt  }
0x54: {  	_ =	shalt  }
0x55: {  	_ =	shalt  }
0x56: {  	_ =	shalt  }
0x57: {  	_ =	shalt  }
0x58: {  	_ =	shalt  }
0x59: {  	_ =	shalt  }
0x5a: {  	_ =	shalt  }
0x5b: {  	_ =	shalt  }
0x5c: {  	_ =	shalt  }
0x5d: {  	_ =	shalt  }
0x5e: {  	_ =	shalt  }
0x5f: {  	_ =	shalt  }
0x60: {  	_ =	shalt  }
0x61: {  	_ =	shalt  }
0x62: {  	_ =	shalt  }
0x63: {  	_ =	shalt  }
0x64: {  	_ =	shalt  }
0x65: {  	_ =	shalt  }
0x66: {  	_ =	shalt  }
0x67: {  	_ =	shalt  }
0x68: {  	_ =	shalt  }
0x69: {  	_ =	shalt  }
0x6a: {  	_ =	shalt  }
0x6b: {  	_ =	shalt  }
0x6c: {  	_ =	shalt  }
0x6d: {  	_ =	shalt  }
0x6e: {  	_ =	shalt  }
0x6f: {  	_ =	shalt  }
0x70: {  	_ =	shalt  }
0x71: {  	_ =	shalt  }
0x72: {  	_ =	shalt  }
0x73: {  	_ =	shalt  }
0x74: {  	_ =	shalt  }
0x75: {  	_ =	shalt  }
0x76: {  	_ =	shalt  }
0x77: {  	_ =	shalt  }
0x78: {  	_ =	shalt  }
0x79: {  	_ =	shalt  }
0x7a: {  	_ =	shalt  }
0x7b: {  	_ =	shalt  }
0x7c: {  	_ =	shalt  }
0x7d: {  	_ =	shalt  }
0x7e: {  	_ =	shalt  }
0x7f: {  	_ =	shalt  }
0x80: {  	_ =	shalt  }
0x81: {  	_ =	shalt  }
0x82: {  	_ =	shalt  }
0x83: {  	_ =	shalt  }
0x84: {  	_ =	shalt  }
0x85: {  	_ =	shalt  }
0x86: {  	_ =	shalt  }
0x87: {  	_ =	shalt  }
.Lfunc_end0:
.L_simem_size_0:
called_computation_lowered:
.L_overlay_start_0:
0x88: {  	s2 =	sld [smem:$0x3FD9]  }
0x89: {  	s3 =	sld [smem:$0x3FFE];
	_ =	sdelay $0x1  }
0x8a: {  	s1 =	srdreg.scid  }
0x8b: {  	s0 =	sand.u32 $0x1, s1  }
0x8c: {  	s17 =	sshll.u32 s0, $0xA;
	s2 =	sadd.s32 s3, s2  }
0x8d: {  	s2 =	sadd.s32 s2, s17  }
0x8e: {  	[smem:$0x3FC6] =	sst s2  }
0x8f: {  	_ = 	snop  }
0x90: {  	s2 =	sld [smem:$0x3FC9];
	(tm) =	ssettm $0x1  }
0x91: {  	s18 =	sld [smem:$0x3FFB];
	_ =	sdelay $0x3  }
0x92: {  	_ =	strace s18  }
0x93: {  	s3 =	sld [smem:$0x3FFC];
	_ =	sdelay $0x3  }
0x94: {  	_ =	strace s3  }
0x95: {  	s3 =	sld [smem:$0x3FFD];
	_ =	sdelay $0x3  }
0x96: {  	_ =	strace s3  }
0x97: {  	_ =	strace $0x8FFFFFFF  }
0x98: {  	s19 =	sld [smem:$0x3FDB];
	_ =	sdelay $0x1  }
0x99: {  	s4 =	simm.s32 $_scs_section_size  }
0x9a: {  	s5 =	simm.s32 $_size__tile_overlayer_lowered;
	s6 =	simm.s32 $_tile_overlayer_lowered  }
0x9b: {  	s22 =	simm.s32 $0x1BFF;
	s21 =	sshll.u32 s6, $0x1;
	s3 =	sadd.s32 s4, s19  }
0x9c: {  	s7 =	simm.s32 $0x0;
	s20 =	sshll.u32 s5, $0x1;
	s5 =	sadd.s32 s21, s3  }
0x9d: {  	[timem:s7], [sflag:s22] =	dma.local [hbm:s5], s20  }
0x9e: {  	_ =	swait.ge [sflag:s22], s20  }
0x9f: {  	s4 =	ssub.s32 $0x0, s20;
	[sflag:s22] =	ssyncset.done $0x0  }
0xa0: {  	[sflag:s22] =	ssyncadd.s32 s4;
	_ =	sdelay $0x1  }
0xa1: {  	s23 =	simm.s32 $0x1B8B  }
0xa2: {  	_ =	swait.ge [sflag:s23], $0x1  }
0xa3: {  	[sflag:s23] =	ssyncset.done $0x0  }
0xa4: {  	s25 =	simm.s32 $0x1B8E;
	s24 =	sld [smem:$0x3FFE];
	[sflag:s23] =	ssyncadd.s32 $0xFFFFFFFF  }
0xa5: {  	s26 =	simm.s32 $execute0_lowered;
	[smem:$0x3FD2] =	sst s25  }
0xa6: {  	s5 =	sshll.u32 s26, $0x1;
	_ =	strace $0x80000046;
	[dreg:$0x1] =	wrdreg $0xFFFFFFFF  }
0xa7: {  	s28 =	simm.s32 $_size_execute0_lowered;
	s3 =	sadd.s32 s3, s5;
	[dreg:$0x0] =	wrdreg $0x0  }
0xa8: {  	s5 =	sshll.u32 s28, $0x1;
	[dreg:$0x2] =	wrdreg s3  }
0xa9: {  	[dreg:$0x3] =	wrdreg s5  }
0xaa: {  	[dreg:$0x4] =	wrdreg $0xC0  }
0xab: {  	_ =	task [dreg:s7], $0x5FFFF  }
0xac: {  	[dreg:$0x1] =	wrdreg $0xFFFFFFFF  }
0xad: {  	[dreg:$0x0] =	wrdreg $0x60  }
0xae: {  	[dreg:$0x2] =	wrdreg s24  }
0xaf: {  	[dreg:$0x3] =	wrdreg s2  }
0xb0: {  	[dreg:$0x4] =	wrdreg $0x9  }
0xb1: {  	_ =	task.clear_ibuf [dreg:s7], $0x5FFFF;
	_ =	strace $0x90000046  }
0xb2: {  	s29 =	simm.s32 $0x9;
	_ =	strace $0x80000048  }
0xb3: {  	_ =	swait.ge [sflag:s29], $0x1  }
0xb4: {  	[sflag:s29] =	ssyncadd.s32 $0xFFFFFFFF  }
0xb5: {  	_ =	strace $0x90000048  }
0xb6: {  	_ =	sfence  }
0xb7: {  	s30 =	sld [smem:$0x0];
	_ =	sdelay $0x2  }
0xb8: {  	s31 =	sshll.u32 s1, $0xD;
	s1 =	sshrl.u32 s1, $0x2  }
0xb9: {  	s3 =	sand.u32 $0x4000, s31;
	s1 =	sadd.s32 s1, s30  }
0xba: {  	s0 =	sor.u32 s3, s0;
	s1 =	sshll.u32 s1, $0x11  }
0xbb: {  	s0 =	sor.u32 s1, s0  }
0xbc: {  	s0 =	sadd.s32 $0x8F2B, s0  }
0xbd: {  	[sflag:s0] =	ssyncadd.remote.s32 $0x1  }
0xbe: {  	_ =	sfence.sel $0xFFFF  }
0xbf: {  	[dreg:$0x0] =	wrdreg $0xFFFFFFFF;
	(pc) =	sbr.abs _section_cstart, $3  }
0xc0: {  	[dreg:$0x1] =	wrdreg $0xFFFFFFFF  }
0xc1: {  	_ =	task.clear_ibuf [dreg:s7], $0x2FFFF;
	_ =	strace $0x9FFFFFFF  }
0xc2: {  	(tm) =	ssettm $0x7FFFFFFF  }
0xc3: {  	_ =	shalt  }
tec
execute0_lowered:
.L_overlay_start_1:
0x0: {  	(tag) =	ssettag $0x1  }
0x1: {  	s0 =	rddreg [dreg:$0x0]  }
0x2: {  	s1 =	rddreg [dreg:$0x1]  }
0x3: {  	s2 =	srdreg.scid;
	s10 =	stileid.u32;
	s4 =	simm.s32 $0x0  }
0x4: {  	s12 =	simm.s32 $0x3;
	s13 =	simm.s32 $0x80;
	s17 =	simm.s32 $0x7400  }
0x5: {  	s19 =	simm.s32 $0x7C00;
	s28 =	simm.s32 $0x9C00;
	s29 =	simm.s32 $0x1  }
0x6: {  	s2 =	sand.u32 $0x1, s2;
	s3 =	sshll.u32 s10, $0x1;
	s26 =	smul.u32 $0x32, s10  }
0x7: {  	s5 =	sor.u32 s2, s3;
	s6 =	ssub.s32 $0x2, s2;
	s2 =	smul.u32 $0x19, s2  }
0x8: {  	s30 =	simm.s32 $0x400;
	[smem:$0x7FF] =	sst s4;
	s7 =	smul.u32 $0xC80, s5  }
0x9: {  	s4 =	sadd.s32 $0x400, s0;
	_ =	strace $0x80000047;
	s9 =	smul.u32 $0xC800, s5  }
0xa: {  	s3 =	sadd.s32 $0xF42800, s0;
	s8 =	sshrl.u32 s6, $0x1;
	s22 =	smul.u32 $0x19, s5  }
0xb: {  	s24 =	sshll.u32 s5, $0x7;
	s21 =	ssub.s32 s6, s8;
	s2 =	sadd.s32 s2, s26  }
0xc: {  	s1 =	sadd.s32 s1, s7;
	s0 =	smax.u32 s21, $0x1;
	s23 =	sand.u32 $0x1FE000, s9  }
0xd: {  	s25 =	sadd.s32 $0x1, s22;
	s9 =	sadd.s32 $0x2, s2;
	[dreg:$0x3] =	wrdreg s1  }
0xe: {  	s21 =	simm.s32 $0x8400;
	s22 =	simm.s32 $0x1000;
	[dreg:$0x4] =	wrdreg s0  }
0xf: {  	s1 =	sand.u32 $0x180, s24;
	s8 =	sshll.u32 s25, $0x7;
	s5 =	sshll.u32 s25, $0xB  }
0x10: {  	s10 =	sshll.u32 s9, $0xB;
	s11 =	sshll.u32 s9, $0x7;
	s25 =	simm.s32 $0x9400  }
0x11: {  	s24 =	simm.s32 $0xE400;
	s1 =	sadd.s32 s4, s1;
	s8 =	sand.u32 $0x180, s8  }
0x12: {  	s5 =	sand.u32 $0x3FE000, s5;
	s8 =	sadd.s32 s4, s8;
	s0 =	sadd.s32 s23, s1  }
0x13: {  	s23 =	simm.s32 $0x8C00;
	[dreg:$0x5] =	wrdreg s0;
	s31 =	sadd.s32 s5, s8  }
0x14: {  	s1 =	simm.s32 $0x0;
	s0 =	simm.s32 $0x2;
	[dreg:$0x6] =	wrdreg s31  }
.LBB2_1:
0x15: {  	s2 =	simm.s32 $0x0;
	s5 =	rddreg [dreg:$0x3]  }
0x16: {  	[tilespmem:s2], [sflag:$0x3] =	stream.linear.gather [hbm4b:s5+s2], $0x6400, $0x38;
	[tilespmem:$0x16400] =	vst v63  }
0x17: {  	_ =	swait.ge [sflag:s12], $0x6400  }
0x18: {  	[sflag:s12] =	ssyncset.done $0x0  }
0x19: {  	s5 =	simm.s32 $0x6400;
	[sflag:s12] =	ssyncadd.s32 $0xFFFF9C00  }
0x1a: {  	[tilespmem:s5], [sflag:$0x1] =	stream.indirect.gather [hbm4b:s3+s13], $0x10, s2, s13, $0xb8;
	[tilespmem:$0x16400] =	vst v63  }
0x1b: {  	s6 =	simm.s32 $0x6C00  }
0x1c: {  	[tilespmem:s6], [sflag:$0x1] =	stream.indirect.gather [hbm4b:s3+s13], $0x10, s13, s13, $0xb8;
	[tilespmem:$0x16400] =	vst v63  }
0x1d: {  	s7 =	simm.s32 $0x100  }
0x1e: {  	[tilespmem:s17], [sflag:$0x1] =	stream.indirect.gather [hbm4b:s3+s13], $0x10, s7, s13, $0xb8;
	[tilespmem:$0x16400] =	vst v63  }
0x1f: {  	s8 =	simm.s32 $0x180  }
0x20: {  	[tilespmem:s19], [sflag:$0x1] =	stream.indirect.gather [hbm4b:s3+s13], $0x10, s8, s13, $0xb8;
	[tilespmem:$0x16400] =	vst v63  }
0x21: {  	s14 =	simm.s32 $0x200  }
0x22: {  	[tilespmem:s21], [sflag:$0x1] =	stream.indirect.gather [hbm4b:s3+s13], $0x10, s14, s13, $0xb8;
	[tilespmem:$0x16400] =	vst v63  }
0x23: {  	s15 =	simm.s32 $0x280  }
0x24: {  	[tilespmem:s23], [sflag:$0x1] =	stream.indirect.gather [hbm4b:s3+s13], $0x10, s15, s13, $0xb8;
	[tilespmem:$0x16400] =	vst v63  }
0x25: {  	s16 =	simm.s32 $0x300  }
0x26: {  	[tilespmem:s25], [sflag:$0x1] =	stream.indirect.gather [hbm4b:s3+s13], $0x10, s16, s13, $0xb8;
	[tilespmem:$0x16400] =	vst v63  }
0x27: {  	s18 =	simm.s32 $0x380  }
0x28: {  	[tilespmem:s28], [sflag:$0x1] =	stream.indirect.gather [hbm4b:s3+s13], $0x10, s18, s13, $0xb8;
	[tilespmem:$0x16400] =	vst v63  }
0x29: {  	_ =	swait.ge [sflag:s29], $0x4000  }
0x2a: {  	[sflag:s29] =	ssyncset.done $0x0  }
0x2b: {  	s20 =	simm.s32 $0xA400;
	[sflag:s29] =	ssyncadd.s32 $0xFFFFC000  }
0x2c: {  	[tilespmem:s20], [sflag:$0x1] =	stream.indirect.gather [hbm4b:s3+s13], $0x10, s30, s13, $0xb8;
	[tilespmem:$0x16400] =	vst v63  }
0x2d: {  	s26 =	simm.s32 $0x480;
	s7 =	simm.s32 $0xAC00  }
0x2e: {  	[tilespmem:s7], [sflag:$0x1] =	stream.indirect.gather [hbm4b:s3+s13], $0x10, s26, s13, $0xb8;
	[tilespmem:$0x16400] =	vst v63  }
0x2f: {  	s8 =	simm.s32 $0xB400;
	s7 =	simm.s32 $0x500  }
0x30: {  	[tilespmem:s8], [sflag:$0x1] =	stream.indirect.gather [hbm4b:s3+s13], $0x10, s7, s13, $0xb8;
	[tilespmem:$0x16400] =	vst v63  }
0x31: {  	s14 =	simm.s32 $0x580;
	s15 =	simm.s32 $0xBC00  }
0x32: {  	[tilespmem:s15], [sflag:$0x1] =	stream.indirect.gather [hbm4b:s3+s13], $0x10, s14, s13, $0xb8;
	[tilespmem:$0x16400] =	vst v63  }
0x33: {  	s16 =	simm.s32 $0x600;
	s18 =	simm.s32 $0xC400  }
0x34: {  	[tilespmem:s18], [sflag:$0x1] =	stream.indirect.gather [hbm4b:s3+s13], $0x10, s16, s13, $0xb8;
	[tilespmem:$0x16400] =	vst v63  }
0x35: {  	s20 =	simm.s32 $0x680;
	s26 =	simm.s32 $0xCC00  }
0x36: {  	[tilespmem:s26], [sflag:$0x1] =	stream.indirect.gather [hbm4b:s3+s13], $0x10, s20, s13, $0xb8;
	[tilespmem:$0x16400] =	vst v63  }
0x37: {  	s7 =	simm.s32 $0x700;
	s8 =	simm.s32 $0xD400  }
0x38: {  	[tilespmem:s8], [sflag:$0x1] =	stream.indirect.gather [hbm4b:s3+s13], $0x10, s7, s13, $0xb8;
	[tilespmem:$0x16400] =	vst v63  }
0x39: {  	s14 =	simm.s32 $0x780;
	s15 =	simm.s32 $0xDC00  }
0x3a: {  	[tilespmem:s15], [sflag:$0x1] =	stream.indirect.gather [hbm4b:s3+s13], $0x10, s14, s13, $0xb8;
	[tilespmem:$0x16400] =	vst v63  }
0x3b: {  	s16 =	rddreg [dreg:$0x5]  }
0x3c: {  	[hbm4b:s16+s30] =	stream.strided.scatter [tilespmem:s24], [sflag:$0x2], $0x4000, s22, s30, $0x38;
	[tilespmem:$0x16400] =	vst v63  }
0x3d: {  	_ =	swait.ge [sflag:s29], $0x4000  }
0x3e: {  	[sflag:s29] =	ssyncset.done $0x0  }
0x3f: {  	s18 =	simm.s32 $0x800;
	[sflag:s29] =	ssyncadd.s32 $0xFFFFC000  }
0x40: {  	[tilespmem:s5], [sflag:$0x1] =	stream.indirect.gather [hbm4b:s3+s13], $0x10, s18, s13, $0xb8;
	[tilespmem:$0x16400] =	vst v63  }
0x41: {  	s20 =	simm.s32 $0x880  }
0x42: {  	[tilespmem:s6], [sflag:$0x1] =	stream.indirect.gather [hbm4b:s3+s13], $0x10, s20, s13, $0xb8;
	[tilespmem:$0x16400] =	vst v63  }
0x43: {  	s26 =	simm.s32 $0x900  }
0x44: {  	[tilespmem:s17], [sflag:$0x1] =	stream.indirect.gather [hbm4b:s3+s13], $0x10, s26, s13, $0xb8;
	[tilespmem:$0x16400] =	vst v63  }
0x45: {  	s5 =	simm.s32 $0x980  }
0x46: {  	[tilespmem:s19], [sflag:$0x1] =	stream.indirect.gather [hbm4b:s3+s13], $0x10, s5, s13, $0xb8;
	[tilespmem:$0x16400] =	vst v63  }
0x47: {  	s6 =	simm.s32 $0xA00  }
0x48: {  	[tilespmem:s21], [sflag:$0x1] =	stream.indirect.gather [hbm4b:s3+s13], $0x10, s6, s13, $0xb8;
	[tilespmem:$0x16400] =	vst v63  }
0x49: {  	s7 =	simm.s32 $0xA80  }
0x4a: {  	[tilespmem:s23], [sflag:$0x1] =	stream.indirect.gather [hbm4b:s3+s13], $0x10, s7, s13, $0xb8;
	[tilespmem:$0x16400] =	vst v63  }
0x4b: {  	s8 =	simm.s32 $0xB00  }
0x4c: {  	[tilespmem:s25], [sflag:$0x1] =	stream.indirect.gather [hbm4b:s3+s13], $0x10, s8, s13, $0xb8;
	[tilespmem:$0x16400] =	vst v63  }
0x4d: {  	s14 =	simm.s32 $0xB80  }
0x4e: {  	[tilespmem:s28], [sflag:$0x1] =	stream.indirect.gather [hbm4b:s3+s13], $0x10, s14, s13, $0xb8;
	[tilespmem:$0x16400] =	vst v63  }
0x4f: {  	s16 =	simm.s32 $0x12400;
	s15 =	rddreg [dreg:$0x6]  }
0x50: {  	[hbm4b:s15+s30] =	stream.strided.scatter [tilespmem:s16], [sflag:$0x2], $0x4000, s22, s30, $0x38;
	[tilespmem:$0x16400] =	vst v63  }
0x51: {  	s18 =	simm.s32 $0xC000;
	_ =	swait.ge [sflag:s29], $0x4000  }
0x52: {  	s2 =	sand.u32 $0x4000, s18;
	[sflag:s29] =	ssyncset.done $0x0  }
0x53: {  	s20 =	sadd.s32 $0x6400, s2;
	s16 =	simm.s32 $0xC00;
	[sflag:s29] =	ssyncadd.s32 $0xFFFFC000  }
0x54: {  	[tilespmem:s20], [sflag:$0x1] =	stream.indirect.gather [hbm4b:s3+s13], $0x10, s16, s13, $0xb8;
	[tilespmem:$0x16400] =	vst v63  }
0x55: {  	s26 =	sadd.s32 $0x6C00, s2;
	s6 =	simm.s32 $0xC80  }
0x56: {  	[tilespmem:s26], [sflag:$0x1] =	stream.indirect.gather [hbm4b:s3+s13], $0x10, s6, s13, $0xb8;
	[tilespmem:$0x16400] =	vst v63  }
0x57: {  	s31 =	simm.s32 $0x8000;
	s7 =	sadd.s32 $0x7400, s2;
	s8 =	simm.s32 $0xD00  }
0x58: {  	[tilespmem:s7], [sflag:$0x1] =	stream.indirect.gather [hbm4b:s3+s13], $0x10, s8, s13, $0xb8;
	[tilespmem:$0x16400] =	vst v63  }
0x59: {  	s18 =	sor.u32 $0x8400, s2;
	s14 =	sadd.s32 $0x7C00, s2;
	s15 =	simm.s32 $0xD80  }
0x5a: {  	[tilespmem:s14], [sflag:$0x1] =	stream.indirect.gather [hbm4b:s3+s13], $0x10, s15, s13, $0xb8;
	[tilespmem:$0x16400] =	vst v63  }
0x5b: {  	s20 =	simm.s32 $0xE00;
	s16 =	simm.s32 $0x1000;
	s26 =	sor.u32 $0x8C00, s2  }
0x5c: {  	[tilespmem:s18], [sflag:$0x1] =	stream.indirect.gather [hbm4b:s3+s13], $0x10, s20, s13, $0xb8;
	[tilespmem:$0x16400] =	vst v63  }
0x5d: {  	s6 =	sor.u32 $0x9400, s2;
	s2 =	sor.u32 $0x9C00, s2;
	s18 =	simm.s32 $0xE80  }
0x5e: {  	[tilespmem:s26], [sflag:$0x1] =	stream.indirect.gather [hbm4b:s3+s13], $0x10, s18, s13, $0xb8;
	[tilespmem:$0x16400] =	vst v63  }
0x5f: {  	s7 =	simm.s32 $0xF80;
	s8 =	sand.u32 $0xFFFE000, s10;
	s20 =	simm.s32 $0xF00  }
0x60: {  	[tilespmem:s6], [sflag:$0x1] =	stream.indirect.gather [hbm4b:s3+s13], $0x10, s20, s13, $0xb8;
	[tilespmem:$0x16400] =	vst v63  }
0x61: {  	s14 =	sand.u32 $0x180, s11;
	s15 =	sand.u32 $0x4000, s31;
	s31 =	simm.s32 $0x10000  }
0x62: {  	[tilespmem:s2], [sflag:$0x1] =	stream.indirect.gather [hbm4b:s3+s13], $0x10, s7, s13, $0xb8;
	[tilespmem:$0x16400] =	vst v63  }
0x63: {  	s5 =	sadd.s32 s4, s14;
	s18 =	sadd.s32 $0x80, s11;
	_ =	swait.ge [sflag:s0], $0x4000  }
0x64: {  	s26 =	sadd.s32 $0x800, s10;
	s20 =	sadd.s32 $0x1, s9;
	[sflag:s0] =	ssyncset.done $0x0  }
0x65: {  	s2 =	sadd.s32 s8, s5;
	s5 =	sadd.s32 $0xE400, s15;
	[sflag:s0] =	ssyncadd.s32 $0xFFFFC000  }
.LBB2_2:
0x66: {  	[hbm4b:s2+s30] =	stream.strided.scatter [tilespmem:s5], [sflag:$0x2], $0x4000, s22, s30, $0x38;
	[tilespmem:$0x16400] =	vst v63  }
0x67: {  	s2 =	smov.u32 s16;
	s5 =	smov.u32 s18;
	s6 =	smov.u32 s26  }
0x68: {  	p0 =	sne.s32 s16, $0x15000;
	s16 =	sadd.s32 $0x1000, s16;
	_ =	swait.ge [sflag:s29], $0x4000  }
0x69: {  	s7 =	sand.u32 $0x4000, s31;
	s2 =	sshra.s32 s2, $0x2;
	[sflag:s29] =	ssyncset.done $0x0  }
0x6a: {  	s8 =	sadd.s32 $0x6400, s7;
	s14 =	sadd.s32 $0xC00, s2;
	[sflag:s29] =	ssyncadd.s32 $0xFFFFC000  }
0x6b: {  	[tilespmem:s8], [sflag:$0x1] =	stream.indirect.gather [hbm4b:s3+s13], $0x10, s14, s13, $0xb8;
	[tilespmem:$0x16400] =	vst v63  }
0x6c: {  	s15 =	smov.u32 s31;
	s8 =	sadd.s32 $0x6C00, s7;
	s14 =	sadd.s32 $0xC80, s2  }
0x6d: {  	[tilespmem:s8], [sflag:$0x1] =	stream.indirect.gather [hbm4b:s3+s13], $0x10, s14, s13, $0xb8;
	[tilespmem:$0x16400] =	vst v63  }
0x6e: {  	s18 =	sadd.s32 $0x80, s18;
	s8 =	sadd.s32 $0x7400, s7;
	s14 =	sadd.s32 $0xD00, s2  }
0x6f: {  	[tilespmem:s8], [sflag:$0x1] =	stream.indirect.gather [hbm4b:s3+s13], $0x10, s14, s13, $0xb8;
	[tilespmem:$0x16400] =	vst v63  }
0x70: {  	s26 =	sadd.s32 $0x800, s26;
	s8 =	sadd.s32 $0x7C00, s7;
	s14 =	sadd.s32 $0xD80, s2  }
0x71: {  	[tilespmem:s8], [sflag:$0x1] =	stream.indirect.gather [hbm4b:s3+s13], $0x10, s14, s13, $0xb8;
	[tilespmem:$0x16400] =	vst v63  }
0x72: {  	s20 =	sadd.s32 $0x1, s20;
	s8 =	sor.u32 $0x8400, s7;
	s14 =	sadd.s32 $0xE00, s2  }
0x73: {  	[tilespmem:s8], [sflag:$0x1] =	stream.indirect.gather [hbm4b:s3+s13], $0x10, s14, s13, $0xb8;
	[tilespmem:$0x16400] =	vst v63  }
0x74: {  	s31 =	sadd.s32 $0x4000, s31;
	s8 =	sor.u32 $0x8C00, s7;
	s14 =	sadd.s32 $0xE80, s2  }
0x75: {  	[tilespmem:s8], [sflag:$0x1] =	stream.indirect.gather [hbm4b:s3+s13], $0x10, s14, s13, $0xb8;
	[tilespmem:$0x16400] =	vst v63  }
0x76: {  	s6 =	sand.u32 $0xFFFE000, s6;
	s8 =	sor.u32 $0x9400, s7;
	s14 =	sadd.s32 $0xF00, s2  }
0x77: {  	[tilespmem:s8], [sflag:$0x1] =	stream.indirect.gather [hbm4b:s3+s13], $0x10, s14, s13, $0xb8;
	[tilespmem:$0x16400] =	vst v63  }
.Ltmp0:
0x78: {  	s7 =	sor.u32 $0x9C00, s7;
	s2 =	sadd.s32 $0xF80, s2;
	(pc) =	sbr.rel @p0 .LBB2_2-.Ltmp0, $4  }
0x79: {  	[tilespmem:s7], [sflag:$0x1] =	stream.indirect.gather [hbm4b:s3+s13], $0x10, s2, s13, $0xb8;
	[tilespmem:$0x16400] =	vst v63  }
0x7a: {  	s2 =	sand.u32 $0x180, s5;
	s5 =	sadd.s32 $0xFFFFC000, s15;
	_ =	swait.ge [sflag:s0], $0x4000  }
0x7b: {  	s2 =	sadd.s32 s4, s2;
	s5 =	sand.u32 $0x4000, s5;
	[sflag:s0] =	ssyncset.done $0x0  }
0x7c: {  	s2 =	sadd.s32 s6, s2;
	s5 =	sadd.s32 $0xE400, s5;
	[sflag:s0] =	ssyncadd.s32 $0xFFFFC000  }
0x7d: {  	[hbm4b:s2+s30] =	stream.strided.scatter [tilespmem:s5], [sflag:$0x2], $0x4000, s22, s30, $0x38;
	[tilespmem:$0x16400] =	vst v63  }
0x7e: {  	_ =	swait.ge [sflag:s29], $0x4000  }
0x7f: {  	[sflag:s29] =	ssyncset.done $0x0  }
0x80: {  	s18 =	sshll.u32 s20, $0x7;
	[sflag:s29] =	ssyncadd.s32 $0xFFFFC000  }
0x81: {  	s26 =	sshll.u32 s20, $0xB;
	s2 =	sand.u32 $0x180, s18;
	_ =	swait.ge [sflag:s0], $0x4000  }
0x82: {  	s5 =	sand.u32 $0xFFFE000, s26;
	s2 =	sadd.s32 s4, s2;
	[sflag:s0] =	ssyncset.done $0x0  }
0x83: {  	s2 =	sadd.s32 s5, s2;
	[sflag:s0] =	ssyncadd.s32 $0xFFFFC000  }
0x84: {  	[hbm4b:s2+s30] =	stream.strided.scatter [tilespmem:s24], [sflag:$0x2], $0x4000, s22, s30, $0x38;
	[tilespmem:$0x16400] =	vst v63  }
0x85: {  	_ =	swait.ge [sflag:s0], $0x4000  }
0x86: {  	[sflag:s0] =	ssyncset.done $0x0  }
0x87: {  	[sflag:s0] =	ssyncadd.s32 $0xFFFFC000  }
0x88: {  	_ =	swait.ge [sflag:s0], $0x4000  }
0x89: {  	s1 =	sadd.s32 $0x1, s1;
	s31 =	rddreg [dreg:$0x4]  }
0x8a: {  	p0 =	sne.s32 s1, s31  }
.Ltmp1:
0x8b: {  	_ = 	snop;
	(pc) =	sbr.rel @p0 .LBB2_1-.Ltmp1, $3  }
0x8c: {  	_ =	sdelay $0x1  }
0x8d: {  	[sflag:s0] =	ssyncset.done $0x0  }
0x8e: {  	[sflag:s0] =	ssyncadd.s32 $0xFFFFC000  }
0x8f: {  	_ =	sfence.sel $0x180000  }
0x90: {  	[bflag:$0x0] =	sbarrier.arrive $0xFFFF  }
0x91: {  	_ =	strace $0x90000047  }
0x92: {  	s0 =	stileid.u32;
	[bflag:$0x2] =	sbarrier.arrive $0xFFFF  }
0x93: {  	p0 =	sne.s32 s0, $0x0;
	s0 =	rddreg [dreg:$0x2]  }
0x94: {  	s0 =	sadd.s32 @!p0 $0x100000, s0  }
0x95: {  	[sflag:s0] =	ssyncadd.tile.s32 @!p0 $0x1;
	_ =	shalt  }
.Lfunc_end2:
_tile_overlayer_lowered:
.L_overlay_start_2:
0x96: {  	(tag) =	ssettag $0x2  }
0x97: {  	s0 =	rddreg [dreg:$0x0];
	s2 =	stileid.u32  }
0x98: {  	s1 =	rddreg [dreg:$0x1];
	p0 =	sne.s32 s2, $0x0  }
0x99: {  	s3 =	rddreg [dreg:$0x2];
	[bflag:$0x3] =	sbarrier.arrive $0xFFFF;
	s2 =	simm.s32 @!p0 $0x1C03  }
0x9a: {  	[timem:s3], [sflag:s2] =	dma.local @!p0 [hbm:s0], s1  }
0x9b: {  	s0 =	simm.s32 @!p0 $0x3  }
0x9c: {  	_ =	swait.ge @!p0 [sflag:s0], s1  }
0x9d: {  	s1 =	ssub.s32 @!p0 $0x0, s1;
	[sflag:s0] =	ssyncset.done @!p0 $0x0  }
0x9e: {  	[sflag:s0] =	ssyncadd.s32 @!p0 s1  }
0x9f: {  	[bflag:$0x3] =	sbarrier.arrive $0xFFFF  }
0xa0: {  	_ =	shalt  }

</sc_bundles>
